<compile_context>
chip_gen: v7x
topology: tpu7x:2x2x1
jax: 0.10.2.dev20260603
libtpu: 0.0.44.dev20260713+nightly
codegen_flags: <defaults>
</compile_context>

<pallas_src>
import functools

import jax
import jax.numpy as jnp
from jax import lax
from jax.experimental import pallas as pl
from jax.experimental.pallas import tpu as pltpu
from jax.experimental.pallas import tpu_sc as plsc

N = 10000
E = 320000
D = 128
NPAD = 10240
NC, NS = 2, 16
NW = NC * NS
CHUNK = 128
CH = 80
NPH = 2
PCH = CH // NPH
PHALF = PCH // 2
DCHUNK = 128
DCH = 80
EPAD = NW * CH * CHUNK
RPT = NPAD // NS

_mesh = plsc.VectorSubcoreMesh(core_axis_name="c", subcore_axis_name="s")



@functools.partial(
    pl.kernel,
    out_type=jax.ShapeDtypeStruct((NC, NPAD, 16), jnp.float32),
    mesh=_mesh,
    scratch_types=[
        pltpu.VMEM((DCH, DCHUNK), jnp.int32),
        pltpu.VMEM((DCHUNK, 16), jnp.float32),
        pltpu.VMEM_SHARED((NPAD, 16), jnp.float32),
        pltpu.SemaphoreType.DMA,
    ],
)
def _deg_kernel(dst_hbm, zeros_hbm, out_hbm, idx_v, ones_v, acc_sh, dsem):
    cid = lax.axis_index("c")
    sid = lax.axis_index("s")
    wid = cid * NS + sid
    stripe = pl.ds(sid * RPT, RPT)

    def _fill(i, carry):
        ones_v[i] = jnp.ones((16,), jnp.float32)
        return carry

    lax.fori_loop(0, DCHUNK, _fill, 0)

    pltpu.sync_copy(zeros_hbm.at[stripe], acc_sh.at[stripe])
    pltpu.sync_copy(dst_hbm.at[wid], idx_v)
    plsc.subcore_barrier()

    def _body(c, carry):
        pltpu.sync_copy(ones_v, acc_sh.at[idx_v.at[c]], add=True)
        return carry

    lax.fori_loop(0, DCH, _body, 0)
    plsc.subcore_barrier()
    pltpu.sync_copy(acc_sh.at[stripe], out_hbm.at[cid, stripe])



@functools.partial(
    pl.kernel,
    out_type=jax.ShapeDtypeStruct((NC, NPAD, D), jnp.float32),
    mesh=_mesh,
    scratch_types=[
        pltpu.VMEM((PCH, CHUNK), jnp.int32),
        pltpu.VMEM((PCH, CHUNK), jnp.int32),
        pltpu.VMEM((CHUNK, D), jnp.float32),
        pltpu.VMEM((CHUNK, D), jnp.float32),
        pltpu.VMEM_SHARED((NPAD, D), jnp.float32),
        pltpu.SemaphoreType.DMA,
        pltpu.SemaphoreType.DMA,
        pltpu.SemaphoreType.DMA,
        pltpu.SemaphoreType.DMA,
    ],
)
def _hop_kernel(t_hbm, src_a, dst_a, src_b, dst_b, out_hbm, src_v, dst_v,
                buf0, buf1, acc_sh, sem0, sem1, ssem0, ssem1):
    cid = lax.axis_index("c")
    sid = lax.axis_index("s")
    wid = cid * NS + sid
    stripe = pl.ds(sid * RPT, RPT)

    pltpu.sync_copy(t_hbm.at[stripe], acc_sh.at[stripe])
    plsc.subcore_barrier()

    for src_h, dst_h in ((src_a, dst_a), (src_b, dst_b)):
        pltpu.sync_copy(src_h.at[wid], src_v)
        pltpu.sync_copy(dst_h.at[wid], dst_v)
        pltpu.async_copy(t_hbm.at[src_v.at[0]], buf0, sem0)
        pltpu.async_copy(t_hbm.at[src_v.at[1]], buf1, sem1)

        def _body(i, carry):
            c0 = 2 * i
            c1 = c0 + 1
            pltpu.make_async_copy(t_hbm.at[src_v.at[c0]], buf0, sem0).wait()
            pltpu.sync_copy(buf0, acc_sh.at[dst_v.at[c0]], add=True)

            @pl.when(i < PHALF - 1)
            def _():
                pltpu.async_copy(t_hbm.at[src_v.at[c0 + 2]], buf0, sem0)

            pltpu.make_async_copy(t_hbm.at[src_v.at[c1]], buf1, sem1).wait()
            pltpu.sync_copy(buf1, acc_sh.at[dst_v.at[c1]], add=True)

            @pl.when(i < PHALF - 1)
            def _():
                pltpu.async_copy(t_hbm.at[src_v.at[c0 + 3]], buf1, sem1)
            return carry

        lax.fori_loop(0, PHALF, _body, 0)
    plsc.subcore_barrier()
    pltpu.sync_copy(acc_sh.at[stripe], out_hbm.at[cid, stripe])



BR = 512


def _deg_block(degp_ref):
    d = degp_ref[0, :, 0:1] + degp_ref[1, :, 0:1] + 1.0
    return d


def _prep_body(degp_ref, x_ref, t0_ref):
    t0_ref[...] = x_ref[...] * lax.rsqrt(_deg_block(degp_ref))


def _mid_body(degp_ref, p_ref, t0_ref, t1_ref):
    s0 = p_ref[0] + p_ref[1] - t0_ref[...]
    t1_ref[...] = s0 / _deg_block(degp_ref)


def _final_body(degp_ref, q_ref, t1_ref, w_ref, b_ref, out_ref):
    s1 = q_ref[0] + q_ref[1] - t1_ref[...]
    h2 = s1 * lax.rsqrt(_deg_block(degp_ref))
    z = lax.dot_general(h2, w_ref[...], (((1,), (1,)), ((), ())),
                        preferred_element_type=jnp.float32) + b_ref[...]
    m = jnp.max(z, axis=1, keepdims=True)
    lse = m + jnp.log(jnp.sum(jnp.exp(z - m), axis=1, keepdims=True))
    out_ref[...] = z - lse


_degp_spec = pl.BlockSpec((NC, BR, 16), lambda i: (0, i, 0))
_row_spec = pl.BlockSpec((BR, D), lambda i: (i, 0))
_pair_spec = pl.BlockSpec((NC, BR, D), lambda i: (0, i, 0))
_grid = (NPAD // BR,)

_prep = pl.pallas_call(
    _prep_body, grid=_grid,
    in_specs=[_degp_spec, _row_spec], out_specs=_row_spec,
    out_shape=jax.ShapeDtypeStruct((NPAD, D), jnp.float32))

_mid = pl.pallas_call(
    _mid_body, grid=_grid,
    in_specs=[_degp_spec, _pair_spec, _row_spec], out_specs=_row_spec,
    out_shape=jax.ShapeDtypeStruct((NPAD, D), jnp.float32))

_final = pl.pallas_call(
    _final_body, grid=_grid,
    in_specs=[_degp_spec, _pair_spec, _row_spec,
              pl.BlockSpec((D, D), lambda i: (0, 0)),
              pl.BlockSpec((1, D), lambda i: (0, 0))],
    out_specs=_row_spec,
    out_shape=jax.ShapeDtypeStruct((NPAD, D), jnp.float32))



def kernel(x, edge_index, W, b):
    src = edge_index[0]
    dst = edge_index[1]
    pad = N + (jnp.arange(EPAD - E, dtype=jnp.int32) % (NPAD - N))
    srcs = jnp.concatenate([src, pad]).reshape(NW, NPH, PCH, CHUNK)
    dsts = jnp.concatenate([dst, pad]).reshape(NW, NPH, PCH, CHUNK)
    src_a, src_b = srcs[:, 0], srcs[:, 1]
    dst_a, dst_b = dsts[:, 0], dsts[:, 1]
    x_pad = jnp.zeros((NPAD, D), jnp.float32).at[:N].set(x)
    zeros16 = jnp.zeros((NPAD, 16), jnp.float32)

    degp = _deg_kernel(dsts.reshape(NW, DCH, DCHUNK), zeros16)
    t0 = _prep(degp, x_pad)
    p = _hop_kernel(t0, src_a, dst_a, src_b, dst_b)
    t1 = _mid(degp, p, t0)
    q = _hop_kernel(t1, src_a, dst_a, src_b, dst_b)
    out = _final(degp, q, t1, W, b.reshape(1, D))
    return out[:N]

# --- scband reference (transcript-rebuilt; emitter-appended) ---
"""Pipeline reference for scband-sgnet-47330539602646 (READ-ONLY COPY).

The authoritative reference and input builder live on the scoring server;
editing this copy changes nothing except your own understanding.
"""

import jax, jax.numpy as jnp
import numpy as np

N_NODES = 10000
N_EDGES = 320000
D_IN = 128
D_OUT = 128
K_HOPS = 2


def setup_inputs(seed: int = 0) -> dict:
    key = jax.random.key(seed)
    k1, k2, k3 = jax.random.split(key, 3)
    x = jax.random.normal(k1, (N_NODES, D_IN), dtype=jnp.float32)
    edge_index = jax.random.randint(k2, (2, N_EDGES), 0, N_NODES, dtype=jnp.int32)
    # Linear layer params of SGConv (weight [out, in], bias [out])
    W = jax.random.normal(k3, (D_OUT, D_IN), dtype=jnp.float32) * (1.0 / np.sqrt(D_IN))
    b = jnp.zeros((D_OUT,), dtype=jnp.float32)
    return {"x": x, "edge_index": edge_index, "W": W, "b": b}


def reference(x, edge_index, W, b):
    # SGConv (K=2): out = (D^-1/2 (A+I) D^-1/2)^K x  @ W.T + b, then log_softmax
    n = x.shape[0]
    src = edge_index[0]
    dst = edge_index[1]
    loop = jnp.arange(n, dtype=src.dtype)
    src2 = jnp.concatenate([src, loop])
    dst2 = jnp.concatenate([dst, loop])
    # symmetric degree normalization with self loops
    deg = jax.ops.segment_sum(jnp.ones_like(dst2, dtype=x.dtype), dst2, num_segments=n)
    dinv = jnp.where(deg > 0, jax.lax.rsqrt(deg), 0.0)
    norm = dinv[src2] * dinv[dst2]
    h = x
    for _ in range(K_HOPS):
        msg = h[src2] * norm[:, None]          # gather + scale (SparseCore gather)
        h = jax.ops.segment_sum(msg, dst2, num_segments=n)  # scatter-add
    out = h @ W.T + b
    return jax.nn.log_softmax(out, axis=1)

if __name__ == "__main__":
    import jax
    _d = setup_inputs()
    print(jax.jit(kernel)(*tuple(_d.values())))

</pallas_src>

<mosaic_0001>
#map = affine_map<(d0, d1) -> (0, 0)>
#map1 = affine_map<(d0, d1) -> (0, 0, 0)>
module attributes {stable_mosaic.version = 14 : i64} {
  func.func @_hop_kernel(%arg0: i32, %arg1: i32, %arg2: memref<10240x128xf32, #tpu.memory_space<hbm>>, %arg3: memref<32x40x128xi32, #tpu.memory_space<hbm>>, %arg4: memref<32x40x128xi32, #tpu.memory_space<hbm>>, %arg5: memref<32x40x128xi32, #tpu.memory_space<hbm>>, %arg6: memref<32x40x128xi32, #tpu.memory_space<hbm>>, %arg7: memref<2x10240x128xf32, #tpu.memory_space<hbm>>, %arg8: memref<40x128xi32, #tpu.memory_space<vmem>>, %arg9: memref<40x128xi32, #tpu.memory_space<vmem>>, %arg10: memref<128x128xf32, #tpu.memory_space<vmem>>, %arg11: memref<128x128xf32, #tpu.memory_space<vmem>>, %arg12: memref<10240x128xf32, #tpu.memory_space<vmem_shared>>, %arg13: memref<!tpu.dma_semaphore, #tpu.memory_space<semaphore_mem>>, %arg14: memref<!tpu.dma_semaphore, #tpu.memory_space<semaphore_mem>>, %arg15: memref<!tpu.dma_semaphore, #tpu.memory_space<semaphore_mem>>, %arg16: memref<!tpu.dma_semaphore, #tpu.memory_space<semaphore_mem>>) attributes {dimension_semantics = [#tpu.dimension_semantics<core_parallel>, #tpu.dimension_semantics<subcore_parallel>], iteration_bounds = array<i64: 2, 16>, scalar_prefetch = 0 : i64, scratch_operands = 9 : i64, tpu.core_type = #tpu.core_type<sc_vector_subcore>, window_params = [{transform_indices = #map}, {transform_indices = #map1}, {transform_indices = #map1}, {transform_indices = #map1}, {transform_indices = #map1}, {transform_indices = #map1}]} {
    %mul3A = arith.constant 16 : i32
    %mul3A_0 = arith.muli %arg0, %mul3A : i32
    %add3A = arith.addi %mul3A_0, %arg1 : i32
    %mul3A_1 = arith.constant 640 : i32
    %mul3A_2 = arith.muli %arg1, %mul3A_1 : i32
    "tpu.region"() ({
      %run_scoped3A = tpu.sem_alloc : memref<!tpu.dma_semaphore, #tpu.memory_space<semaphore_mem>>
      %dma_start3A_42 = arith.constant 0 : i32
      %dma_start3A_43 = tpu.memref_slice %arg12[%mul3A_2, %dma_start3A_42] : memref<10240x128xf32, #tpu.memory_space<vmem_shared>> -> memref<640x128xf32, #tpu.memory_space<vmem_shared>>
      %dma_start3A_44 = arith.constant 0 : i32
      %dma_start3A_45 = tpu.memref_slice %arg2[%mul3A_2, %dma_start3A_44] : memref<10240x128xf32, #tpu.memory_space<hbm>> -> memref<640x128xf32, #tpu.memory_space<hbm>>
      tpu.enqueue_dma source(%dma_start3A_45 : memref<640x128xf32, #tpu.memory_space<hbm>>) target(%dma_start3A_43 : memref<640x128xf32, #tpu.memory_space<vmem_shared>>) target_semaphore(%run_scoped3A : memref<!tpu.dma_semaphore, #tpu.memory_space<semaphore_mem>>)
      %dma_wait3A = arith.constant 0 : i32
      %dma_wait3A_46 = tpu.memref_slice %arg12[%mul3A_2, %dma_wait3A] : memref<10240x128xf32, #tpu.memory_space<vmem_shared>> -> memref<640x128xf32, #tpu.memory_space<vmem_shared>>
      %dma_wait3A_47 = arith.constant 0 : i32
      %dma_wait3A_48 = tpu.memref_slice %arg2[%mul3A_2, %dma_wait3A_47] : memref<10240x128xf32, #tpu.memory_space<hbm>> -> memref<640x128xf32, #tpu.memory_space<hbm>>
      tpu.wait_dma2 semaphore(%run_scoped3A : memref<!tpu.dma_semaphore, #tpu.memory_space<semaphore_mem>>) src(%dma_wait3A_48 : memref<640x128xf32, #tpu.memory_space<hbm>>) dst(%dma_wait3A_46 : memref<640x128xf32, #tpu.memory_space<vmem_shared>>)
      tpu.yield
    }) : () -> ()
    %barrier3A = arith.constant 0 : index
    tpu.barrier barrier_id(%barrier3A)
    "tpu.region"() ({
      %run_scoped3A = tpu.sem_alloc : memref<!tpu.dma_semaphore, #tpu.memory_space<semaphore_mem>>
      %dma_start3A_42 = arith.constant 0 : i32
      %dma_start3A_43 = arith.constant 0 : i32
      %dma_start3A_44 = tpu.memref_slice %arg3[%add3A, %dma_start3A_42, %dma_start3A_43] : memref<32x40x128xi32, #tpu.memory_space<hbm>> -> memref<1x40x128xi32, #tpu.memory_space<hbm>>
      %dma_start3A_45 = tpu.memref_squeeze %dma_start3A_44 : memref<1x40x128xi32, #tpu.memory_space<hbm>> -> memref<40x128xi32, #tpu.memory_space<hbm>>
      %dma_start3A_46 = arith.constant 0 : i32
      %dma_start3A_47 = arith.constant 0 : i32
      %dma_start3A_48 = tpu.memref_slice %arg3[%add3A, %dma_start3A_46, %dma_start3A_47] : memref<32x40x128xi32, #tpu.memory_space<hbm>> -> memref<1x40x128xi32, #tpu.memory_space<hbm>>
      %dma_start3A_49 = tpu.memref_squeeze %dma_start3A_48 : memref<1x40x128xi32, #tpu.memory_space<hbm>> -> memref<40x128xi32, #tpu.memory_space<hbm>>
      tpu.enqueue_dma source(%dma_start3A_49 : memref<40x128xi32, #tpu.memory_space<hbm>>) target(%arg8 : memref<40x128xi32, #tpu.memory_space<vmem>>) target_semaphore(%run_scoped3A : memref<!tpu.dma_semaphore, #tpu.memory_space<semaphore_mem>>)
      %dma_wait3A = arith.constant 0 : i32
      %dma_wait3A_50 = arith.constant 0 : i32
      %dma_wait3A_51 = tpu.memref_slice %arg3[%add3A, %dma_wait3A, %dma_wait3A_50] : memref<32x40x128xi32, #tpu.memory_space<hbm>> -> memref<1x40x128xi32, #tpu.memory_space<hbm>>
      %dma_wait3A_52 = tpu.memref_squeeze %dma_wait3A_51 : memref<1x40x128xi32, #tpu.memory_space<hbm>> -> memref<40x128xi32, #tpu.memory_space<hbm>>
      %dma_wait3A_53 = arith.constant 0 : i32
      %dma_wait3A_54 = arith.constant 0 : i32
      %dma_wait3A_55 = tpu.memref_slice %arg3[%add3A, %dma_wait3A_53, %dma_wait3A_54] : memref<32x40x128xi32, #tpu.memory_space<hbm>> -> memref<1x40x128xi32, #tpu.memory_space<hbm>>
      %dma_wait3A_56 = tpu.memref_squeeze %dma_wait3A_55 : memref<1x40x128xi32, #tpu.memory_space<hbm>> -> memref<40x128xi32, #tpu.memory_space<hbm>>
      tpu.wait_dma2 semaphore(%run_scoped3A : memref<!tpu.dma_semaphore, #tpu.memory_space<semaphore_mem>>) src(%dma_wait3A_56 : memref<40x128xi32, #tpu.memory_space<hbm>>) dst(%arg8 : memref<40x128xi32, #tpu.memory_space<vmem>>)
      tpu.yield
    }) : () -> ()
    "tpu.region"() ({
      %run_scoped3A = tpu.sem_alloc : memref<!tpu.dma_semaphore, #tpu.memory_space<semaphore_mem>>
      %dma_start3A_42 = arith.constant 0 : i32
      %dma_start3A_43 = arith.constant 0 : i32
      %dma_start3A_44 = tpu.memref_slice %arg4[%add3A, %dma_start3A_42, %dma_start3A_43] : memref<32x40x128xi32, #tpu.memory_space<hbm>> -> memref<1x40x128xi32, #tpu.memory_space<hbm>>
      %dma_start3A_45 = tpu.memref_squeeze %dma_start3A_44 : memref<1x40x128xi32, #tpu.memory_space<hbm>> -> memref<40x128xi32, #tpu.memory_space<hbm>>
      %dma_start3A_46 = arith.constant 0 : i32
      %dma_start3A_47 = arith.constant 0 : i32
      %dma_start3A_48 = tpu.memref_slice %arg4[%add3A, %dma_start3A_46, %dma_start3A_47] : memref<32x40x128xi32, #tpu.memory_space<hbm>> -> memref<1x40x128xi32, #tpu.memory_space<hbm>>
      %dma_start3A_49 = tpu.memref_squeeze %dma_start3A_48 : memref<1x40x128xi32, #tpu.memory_space<hbm>> -> memref<40x128xi32, #tpu.memory_space<hbm>>
      tpu.enqueue_dma source(%dma_start3A_49 : memref<40x128xi32, #tpu.memory_space<hbm>>) target(%arg9 : memref<40x128xi32, #tpu.memory_space<vmem>>) target_semaphore(%run_scoped3A : memref<!tpu.dma_semaphore, #tpu.memory_space<semaphore_mem>>)
      %dma_wait3A = arith.constant 0 : i32
      %dma_wait3A_50 = arith.constant 0 : i32
      %dma_wait3A_51 = tpu.memref_slice %arg4[%add3A, %dma_wait3A, %dma_wait3A_50] : memref<32x40x128xi32, #tpu.memory_space<hbm>> -> memref<1x40x128xi32, #tpu.memory_space<hbm>>
      %dma_wait3A_52 = tpu.memref_squeeze %dma_wait3A_51 : memref<1x40x128xi32, #tpu.memory_space<hbm>> -> memref<40x128xi32, #tpu.memory_space<hbm>>
      %dma_wait3A_53 = arith.constant 0 : i32
      %dma_wait3A_54 = arith.constant 0 : i32
      %dma_wait3A_55 = tpu.memref_slice %arg4[%add3A, %dma_wait3A_53, %dma_wait3A_54] : memref<32x40x128xi32, #tpu.memory_space<hbm>> -> memref<1x40x128xi32, #tpu.memory_space<hbm>>
      %dma_wait3A_56 = tpu.memref_squeeze %dma_wait3A_55 : memref<1x40x128xi32, #tpu.memory_space<hbm>> -> memref<40x128xi32, #tpu.memory_space<hbm>>
      tpu.wait_dma2 semaphore(%run_scoped3A : memref<!tpu.dma_semaphore, #tpu.memory_space<semaphore_mem>>) src(%dma_wait3A_56 : memref<40x128xi32, #tpu.memory_space<hbm>>) dst(%arg9 : memref<40x128xi32, #tpu.memory_space<vmem>>)
      tpu.yield
    }) : () -> ()
    %dma_start3A = arith.constant 0 : i32
    %dma_start3A_3 = arith.constant 0 : i32
    %dma_start3A_4 = tpu.memref_slice %arg8[%dma_start3A, %dma_start3A_3] : memref<40x128xi32, #tpu.memory_space<vmem>> -> memref<1x128xi32, #tpu.memory_space<vmem>>
    %dma_start3A_5 = tpu.memref_squeeze %dma_start3A_4 : memref<1x128xi32, #tpu.memory_space<vmem>> -> memref<128xi32, #tpu.memory_space<vmem>>
    %dma_start3A_6 = arith.constant 0 : i32
    %dma_start3A_7 = arith.constant 0 : i32
    %dma_start3A_8 = tpu.memref_slice %arg2[%dma_start3A_6, %dma_start3A_7] : memref<10240x128xf32, #tpu.memory_space<hbm>> -> memref<10240x128xf32, #tpu.memory_space<hbm>>
    tpu.enqueue_indirect_dma source(%dma_start3A_8 : memref<10240x128xf32, #tpu.memory_space<hbm>>) target(%arg10 : memref<128x128xf32, #tpu.memory_space<vmem>>) offsets(%dma_start3A_5 : memref<128xi32, #tpu.memory_space<vmem>>) semaphore(%arg13 : memref<!tpu.dma_semaphore, #tpu.memory_space<semaphore_mem>>)
    %dma_start3A_9 = arith.constant 1 : i32
    %dma_start3A_10 = arith.constant 0 : i32
    %dma_start3A_11 = tpu.memref_slice %arg8[%dma_start3A_9, %dma_start3A_10] : memref<40x128xi32, #tpu.memory_space<vmem>> -> memref<1x128xi32, #tpu.memory_space<vmem>>
    %dma_start3A_12 = tpu.memref_squeeze %dma_start3A_11 : memref<1x128xi32, #tpu.memory_space<vmem>> -> memref<128xi32, #tpu.memory_space<vmem>>
    %dma_start3A_13 = arith.constant 0 : i32
    %dma_start3A_14 = arith.constant 0 : i32
    %dma_start3A_15 = tpu.memref_slice %arg2[%dma_start3A_13, %dma_start3A_14] : memref<10240x128xf32, #tpu.memory_space<hbm>> -> memref<10240x128xf32, #tpu.memory_space<hbm>>
    tpu.enqueue_indirect_dma source(%dma_start3A_15 : memref<10240x128xf32, #tpu.memory_space<hbm>>) target(%arg11 : memref<128x128xf32, #tpu.memory_space<vmem>>) offsets(%dma_start3A_12 : memref<128xi32, #tpu.memory_space<vmem>>) semaphore(%arg14 : memref<!tpu.dma_semaphore, #tpu.memory_space<semaphore_mem>>)
    %scan3A = arith.constant 0 : i32
    %scan3A_16 = arith.constant 0 : i32
    %scan3A_17 = arith.constant 20 : i32
    %scan3A_18 = arith.addi %scan3A_16, %scan3A_17 : i32
    %scan3A_19 = arith.constant 1 : i32
    scf.for %scan3A_42 = %scan3A_16 to %scan3A_18 step %scan3A_19  : i32 {
      %mul3A_43 = arith.constant 2 : i32
      %mul3A_44 = arith.muli %mul3A_43, %scan3A_42 : i32
      %add3A_45 = arith.constant 1 : i32
      %add3A_46 = arith.addi %mul3A_44, %add3A_45 : i32
      %dma_wait3A = arith.constant 0 : i32
      %dma_wait3A_47 = tpu.memref_slice %arg8[%mul3A_44, %dma_wait3A] : memref<40x128xi32, #tpu.memory_space<vmem>> -> memref<1x128xi32, #tpu.memory_space<vmem>>
      %dma_wait3A_48 = tpu.memref_squeeze %dma_wait3A_47 : memref<1x128xi32, #tpu.memory_space<vmem>> -> memref<128xi32, #tpu.memory_space<vmem>>
      %dma_wait3A_49 = arith.constant 0 : i32
      %dma_wait3A_50 = arith.constant 0 : i32
      %dma_wait3A_51 = tpu.memref_slice %arg2[%dma_wait3A_49, %dma_wait3A_50] : memref<10240x128xf32, #tpu.memory_space<hbm>> -> memref<10240x128xf32, #tpu.memory_space<hbm>>
      tpu.wait_indirect_dma semaphore(%arg13 : memref<!tpu.dma_semaphore, #tpu.memory_space<semaphore_mem>>) src(%dma_wait3A_51 : memref<10240x128xf32, #tpu.memory_space<hbm>>) dst(%arg10 : memref<128x128xf32, #tpu.memory_space<vmem>>)
      "tpu.region"() ({
        %run_scoped3A = tpu.sem_alloc : memref<!tpu.dma_semaphore, #tpu.memory_space<semaphore_mem>>
        %dma_start3A_65 = arith.constant 0 : i32
        %dma_start3A_66 = tpu.memref_slice %arg9[%mul3A_44, %dma_start3A_65] : memref<40x128xi32, #tpu.memory_space<vmem>> -> memref<1x128xi32, #tpu.memory_space<vmem>>
        %dma_start3A_67 = tpu.memref_squeeze %dma_start3A_66 : memref<1x128xi32, #tpu.memory_space<vmem>> -> memref<128xi32, #tpu.memory_space<vmem>>
        %dma_start3A_68 = arith.constant 0 : i32
        %dma_start3A_69 = arith.constant 0 : i32
        %dma_start3A_70 = tpu.memref_slice %arg12[%dma_start3A_68, %dma_start3A_69] : memref<10240x128xf32, #tpu.memory_space<vmem_shared>> -> memref<10240x128xf32, #tpu.memory_space<vmem_shared>>
        tpu.enqueue_indirect_dma source(%arg10 : memref<128x128xf32, #tpu.memory_space<vmem>>) target(%dma_start3A_70 : memref<10240x128xf32, #tpu.memory_space<vmem_shared>>) offsets(%dma_start3A_67 : memref<128xi32, #tpu.memory_space<vmem>>) semaphore(%run_scoped3A : memref<!tpu.dma_semaphore, #tpu.memory_space<semaphore_mem>>) {add = true}
        %dma_wait3A_71 = arith.constant 0 : i32
        %dma_wait3A_72 = tpu.memref_slice %arg9[%mul3A_44, %dma_wait3A_71] : memref<40x128xi32, #tpu.memory_space<vmem>> -> memref<1x128xi32, #tpu.memory_space<vmem>>
        %dma_wait3A_73 = tpu.memref_squeeze %dma_wait3A_72 : memref<1x128xi32, #tpu.memory_space<vmem>> -> memref<128xi32, #tpu.memory_space<vmem>>
        %dma_wait3A_74 = arith.constant 0 : i32
        %dma_wait3A_75 = arith.constant 0 : i32
        %dma_wait3A_76 = tpu.memref_slice %arg12[%dma_wait3A_74, %dma_wait3A_75] : memref<10240x128xf32, #tpu.memory_space<vmem_shared>> -> memref<10240x128xf32, #tpu.memory_space<vmem_shared>>
        tpu.wait_indirect_dma semaphore(%run_scoped3A : memref<!tpu.dma_semaphore, #tpu.memory_space<semaphore_mem>>) src(%arg10 : memref<128x128xf32, #tpu.memory_space<vmem>>) dst(%dma_wait3A_76 : memref<10240x128xf32, #tpu.memory_space<vmem_shared>>)
        tpu.yield
      }) : () -> ()
      %lt3A = arith.constant 19 : i32
      %lt3A_52 = arith.cmpi slt, %scan3A_42, %lt3A : i32
      %convert_element_type3A = arith.extui %lt3A_52 : i1 to i32
      %cond3A = arith.constant 0 : i32
      %cond3A_53 = arith.cmpi ne, %convert_element_type3A, %cond3A : i32
      scf.if %cond3A_53 {
        %add3A_65 = arith.constant 2 : i32
        %add3A_66 = arith.addi %mul3A_44, %add3A_65 : i32
        %dma_start3A_67 = arith.constant 0 : i32
        %dma_start3A_68 = tpu.memref_slice %arg8[%add3A_66, %dma_start3A_67] : memref<40x128xi32, #tpu.memory_space<vmem>> -> memref<1x128xi32, #tpu.memory_space<vmem>>
        %dma_start3A_69 = tpu.memref_squeeze %dma_start3A_68 : memref<1x128xi32, #tpu.memory_space<vmem>> -> memref<128xi32, #tpu.memory_space<vmem>>
        %dma_start3A_70 = arith.constant 0 : i32
        %dma_start3A_71 = arith.constant 0 : i32
        %dma_start3A_72 = tpu.memref_slice %arg2[%dma_start3A_70, %dma_start3A_71] : memref<10240x128xf32, #tpu.memory_space<hbm>> -> memref<10240x128xf32, #tpu.memory_space<hbm>>
        tpu.enqueue_indirect_dma source(%dma_start3A_72 : memref<10240x128xf32, #tpu.memory_space<hbm>>) target(%arg10 : memref<128x128xf32, #tpu.memory_space<vmem>>) offsets(%dma_start3A_69 : memref<128xi32, #tpu.memory_space<vmem>>) semaphore(%arg13 : memref<!tpu.dma_semaphore, #tpu.memory_space<semaphore_mem>>)
      } else {
      }
      %dma_wait3A_54 = arith.constant 0 : i32
      %dma_wait3A_55 = tpu.memref_slice %arg8[%add3A_46, %dma_wait3A_54] : memref<40x128xi32, #tpu.memory_space<vmem>> -> memref<1x128xi32, #tpu.memory_space<vmem>>
      %dma_wait3A_56 = tpu.memref_squeeze %dma_wait3A_55 : memref<1x128xi32, #tpu.memory_space<vmem>> -> memref<128xi32, #tpu.memory_space<vmem>>
      %dma_wait3A_57 = arith.constant 0 : i32
      %dma_wait3A_58 = arith.constant 0 : i32
      %dma_wait3A_59 = tpu.memref_slice %arg2[%dma_wait3A_57, %dma_wait3A_58] : memref<10240x128xf32, #tpu.memory_space<hbm>> -> memref<10240x128xf32, #tpu.memory_space<hbm>>
      tpu.wait_indirect_dma semaphore(%arg14 : memref<!tpu.dma_semaphore, #tpu.memory_space<semaphore_mem>>) src(%dma_wait3A_59 : memref<10240x128xf32, #tpu.memory_space<hbm>>) dst(%arg11 : memref<128x128xf32, #tpu.memory_space<vmem>>)
      "tpu.region"() ({
        %run_scoped3A = tpu.sem_alloc : memref<!tpu.dma_semaphore, #tpu.memory_space<semaphore_mem>>
        %dma_start3A_65 = arith.constant 0 : i32
        %dma_start3A_66 = tpu.memref_slice %arg9[%add3A_46, %dma_start3A_65] : memref<40x128xi32, #tpu.memory_space<vmem>> -> memref<1x128xi32, #tpu.memory_space<vmem>>
        %dma_start3A_67 = tpu.memref_squeeze %dma_start3A_66 : memref<1x128xi32, #tpu.memory_space<vmem>> -> memref<128xi32, #tpu.memory_space<vmem>>
        %dma_start3A_68 = arith.constant 0 : i32
        %dma_start3A_69 = arith.constant 0 : i32
        %dma_start3A_70 = tpu.memref_slice %arg12[%dma_start3A_68, %dma_start3A_69] : memref<10240x128xf32, #tpu.memory_space<vmem_shared>> -> memref<10240x128xf32, #tpu.memory_space<vmem_shared>>
        tpu.enqueue_indirect_dma source(%arg11 : memref<128x128xf32, #tpu.memory_space<vmem>>) target(%dma_start3A_70 : memref<10240x128xf32, #tpu.memory_space<vmem_shared>>) offsets(%dma_start3A_67 : memref<128xi32, #tpu.memory_space<vmem>>) semaphore(%run_scoped3A : memref<!tpu.dma_semaphore, #tpu.memory_space<semaphore_mem>>) {add = true}
        %dma_wait3A_71 = arith.constant 0 : i32
        %dma_wait3A_72 = tpu.memref_slice %arg9[%add3A_46, %dma_wait3A_71] : memref<40x128xi32, #tpu.memory_space<vmem>> -> memref<1x128xi32, #tpu.memory_space<vmem>>
        %dma_wait3A_73 = tpu.memref_squeeze %dma_wait3A_72 : memref<1x128xi32, #tpu.memory_space<vmem>> -> memref<128xi32, #tpu.memory_space<vmem>>
        %dma_wait3A_74 = arith.constant 0 : i32
        %dma_wait3A_75 = arith.constant 0 : i32
        %dma_wait3A_76 = tpu.memref_slice %arg12[%dma_wait3A_74, %dma_wait3A_75] : memref<10240x128xf32, #tpu.memory_space<vmem_shared>> -> memref<10240x128xf32, #tpu.memory_space<vmem_shared>>
        tpu.wait_indirect_dma semaphore(%run_scoped3A : memref<!tpu.dma_semaphore, #tpu.memory_space<semaphore_mem>>) src(%arg11 : memref<128x128xf32, #tpu.memory_space<vmem>>) dst(%dma_wait3A_76 : memref<10240x128xf32, #tpu.memory_space<vmem_shared>>)
        tpu.yield
      }) : () -> ()
      %lt3A_60 = arith.constant 19 : i32
      %lt3A_61 = arith.cmpi slt, %scan3A_42, %lt3A_60 : i32
      %convert_element_type3A_62 = arith.extui %lt3A_61 : i1 to i32
      %cond3A_63 = arith.constant 0 : i32
      %cond3A_64 = arith.cmpi ne, %convert_element_type3A_62, %cond3A_63 : i32
      scf.if %cond3A_64 {
        %add3A_65 = arith.constant 3 : i32
        %add3A_66 = arith.addi %mul3A_44, %add3A_65 : i32
        %dma_start3A_67 = arith.constant 0 : i32
        %dma_start3A_68 = tpu.memref_slice %arg8[%add3A_66, %dma_start3A_67] : memref<40x128xi32, #tpu.memory_space<vmem>> -> memref<1x128xi32, #tpu.memory_space<vmem>>
        %dma_start3A_69 = tpu.memref_squeeze %dma_start3A_68 : memref<1x128xi32, #tpu.memory_space<vmem>> -> memref<128xi32, #tpu.memory_space<vmem>>
        %dma_start3A_70 = arith.constant 0 : i32
        %dma_start3A_71 = arith.constant 0 : i32
        %dma_start3A_72 = tpu.memref_slice %arg2[%dma_start3A_70, %dma_start3A_71] : memref<10240x128xf32, #tpu.memory_space<hbm>> -> memref<10240x128xf32, #tpu.memory_space<hbm>>
        tpu.enqueue_indirect_dma source(%dma_start3A_72 : memref<10240x128xf32, #tpu.memory_space<hbm>>) target(%arg11 : memref<128x128xf32, #tpu.memory_space<vmem>>) offsets(%dma_start3A_69 : memref<128xi32, #tpu.memory_space<vmem>>) semaphore(%arg14 : memref<!tpu.dma_semaphore, #tpu.memory_space<semaphore_mem>>)
      } else {
      }
    }
    %scan3A_20 = arith.constant 20 : i32
    "tpu.region"() ({
      %run_scoped3A = tpu.sem_alloc : memref<!tpu.dma_semaphore, #tpu.memory_space<semaphore_mem>>
      %dma_start3A_42 = arith.constant 0 : i32
      %dma_start3A_43 = arith.constant 0 : i32
      %dma_start3A_44 = tpu.memref_slice %arg5[%add3A, %dma_start3A_42, %dma_start3A_43] : memref<32x40x128xi32, #tpu.memory_space<hbm>> -> memref<1x40x128xi32, #tpu.memory_space<hbm>>
      %dma_start3A_45 = tpu.memref_squeeze %dma_start3A_44 : memref<1x40x128xi32, #tpu.memory_space<hbm>> -> memref<40x128xi32, #tpu.memory_space<hbm>>
      %dma_start3A_46 = arith.constant 0 : i32
      %dma_start3A_47 = arith.constant 0 : i32
      %dma_start3A_48 = tpu.memref_slice %arg5[%add3A, %dma_start3A_46, %dma_start3A_47] : memref<32x40x128xi32, #tpu.memory_space<hbm>> -> memref<1x40x128xi32, #tpu.memory_space<hbm>>
      %dma_start3A_49 = tpu.memref_squeeze %dma_start3A_48 : memref<1x40x128xi32, #tpu.memory_space<hbm>> -> memref<40x128xi32, #tpu.memory_space<hbm>>
      tpu.enqueue_dma source(%dma_start3A_49 : memref<40x128xi32, #tpu.memory_space<hbm>>) target(%arg8 : memref<40x128xi32, #tpu.memory_space<vmem>>) target_semaphore(%run_scoped3A : memref<!tpu.dma_semaphore, #tpu.memory_space<semaphore_mem>>)
      %dma_wait3A = arith.constant 0 : i32
      %dma_wait3A_50 = arith.constant 0 : i32
      %dma_wait3A_51 = tpu.memref_slice %arg5[%add3A, %dma_wait3A, %dma_wait3A_50] : memref<32x40x128xi32, #tpu.memory_space<hbm>> -> memref<1x40x128xi32, #tpu.memory_space<hbm>>
      %dma_wait3A_52 = tpu.memref_squeeze %dma_wait3A_51 : memref<1x40x128xi32, #tpu.memory_space<hbm>> -> memref<40x128xi32, #tpu.memory_space<hbm>>
      %dma_wait3A_53 = arith.constant 0 : i32
      %dma_wait3A_54 = arith.constant 0 : i32
      %dma_wait3A_55 = tpu.memref_slice %arg5[%add3A, %dma_wait3A_53, %dma_wait3A_54] : memref<32x40x128xi32, #tpu.memory_space<hbm>> -> memref<1x40x128xi32, #tpu.memory_space<hbm>>
      %dma_wait3A_56 = tpu.memref_squeeze %dma_wait3A_55 : memref<1x40x128xi32, #tpu.memory_space<hbm>> -> memref<40x128xi32, #tpu.memory_space<hbm>>
      tpu.wait_dma2 semaphore(%run_scoped3A : memref<!tpu.dma_semaphore, #tpu.memory_space<semaphore_mem>>) src(%dma_wait3A_56 : memref<40x128xi32, #tpu.memory_space<hbm>>) dst(%arg8 : memref<40x128xi32, #tpu.memory_space<vmem>>)
      tpu.yield
    }) : () -> ()
    "tpu.region"() ({
      %run_scoped3A = tpu.sem_alloc : memref<!tpu.dma_semaphore, #tpu.memory_space<semaphore_mem>>
      %dma_start3A_42 = arith.constant 0 : i32
      %dma_start3A_43 = arith.constant 0 : i32
      %dma_start3A_44 = tpu.memref_slice %arg6[%add3A, %dma_start3A_42, %dma_start3A_43] : memref<32x40x128xi32, #tpu.memory_space<hbm>> -> memref<1x40x128xi32, #tpu.memory_space<hbm>>
      %dma_start3A_45 = tpu.memref_squeeze %dma_start3A_44 : memref<1x40x128xi32, #tpu.memory_space<hbm>> -> memref<40x128xi32, #tpu.memory_space<hbm>>
      %dma_start3A_46 = arith.constant 0 : i32
      %dma_start3A_47 = arith.constant 0 : i32
      %dma_start3A_48 = tpu.memref_slice %arg6[%add3A, %dma_start3A_46, %dma_start3A_47] : memref<32x40x128xi32, #tpu.memory_space<hbm>> -> memref<1x40x128xi32, #tpu.memory_space<hbm>>
      %dma_start3A_49 = tpu.memref_squeeze %dma_start3A_48 : memref<1x40x128xi32, #tpu.memory_space<hbm>> -> memref<40x128xi32, #tpu.memory_space<hbm>>
      tpu.enqueue_dma source(%dma_start3A_49 : memref<40x128xi32, #tpu.memory_space<hbm>>) target(%arg9 : memref<40x128xi32, #tpu.memory_space<vmem>>) target_semaphore(%run_scoped3A : memref<!tpu.dma_semaphore, #tpu.memory_space<semaphore_mem>>)
      %dma_wait3A = arith.constant 0 : i32
      %dma_wait3A_50 = arith.constant 0 : i32
      %dma_wait3A_51 = tpu.memref_slice %arg6[%add3A, %dma_wait3A, %dma_wait3A_50] : memref<32x40x128xi32, #tpu.memory_space<hbm>> -> memref<1x40x128xi32, #tpu.memory_space<hbm>>
      %dma_wait3A_52 = tpu.memref_squeeze %dma_wait3A_51 : memref<1x40x128xi32, #tpu.memory_space<hbm>> -> memref<40x128xi32, #tpu.memory_space<hbm>>
      %dma_wait3A_53 = arith.constant 0 : i32
      %dma_wait3A_54 = arith.constant 0 : i32
      %dma_wait3A_55 = tpu.memref_slice %arg6[%add3A, %dma_wait3A_53, %dma_wait3A_54] : memref<32x40x128xi32, #tpu.memory_space<hbm>> -> memref<1x40x128xi32, #tpu.memory_space<hbm>>
      %dma_wait3A_56 = tpu.memref_squeeze %dma_wait3A_55 : memref<1x40x128xi32, #tpu.memory_space<hbm>> -> memref<40x128xi32, #tpu.memory_space<hbm>>
      tpu.wait_dma2 semaphore(%run_scoped3A : memref<!tpu.dma_semaphore, #tpu.memory_space<semaphore_mem>>) src(%dma_wait3A_56 : memref<40x128xi32, #tpu.memory_space<hbm>>) dst(%arg9 : memref<40x128xi32, #tpu.memory_space<vmem>>)
      tpu.yield
    }) : () -> ()
    %dma_start3A_21 = arith.constant 0 : i32
    %dma_start3A_22 = arith.constant 0 : i32
    %dma_start3A_23 = tpu.memref_slice %arg8[%dma_start3A_21, %dma_start3A_22] : memref<40x128xi32, #tpu.memory_space<vmem>> -> memref<1x128xi32, #tpu.memory_space<vmem>>
    %dma_start3A_24 = tpu.memref_squeeze %dma_start3A_23 : memref<1x128xi32, #tpu.memory_space<vmem>> -> memref<128xi32, #tpu.memory_space<vmem>>
    %dma_start3A_25 = arith.constant 0 : i32
    %dma_start3A_26 = arith.constant 0 : i32
    %dma_start3A_27 = tpu.memref_slice %arg2[%dma_start3A_25, %dma_start3A_26] : memref<10240x128xf32, #tpu.memory_space<hbm>> -> memref<10240x128xf32, #tpu.memory_space<hbm>>
    tpu.enqueue_indirect_dma source(%dma_start3A_27 : memref<10240x128xf32, #tpu.memory_space<hbm>>) target(%arg10 : memref<128x128xf32, #tpu.memory_space<vmem>>) offsets(%dma_start3A_24 : memref<128xi32, #tpu.memory_space<vmem>>) semaphore(%arg13 : memref<!tpu.dma_semaphore, #tpu.memory_space<semaphore_mem>>)
    %dma_start3A_28 = arith.constant 1 : i32
    %dma_start3A_29 = arith.constant 0 : i32
    %dma_start3A_30 = tpu.memref_slice %arg8[%dma_start3A_28, %dma_start3A_29] : memref<40x128xi32, #tpu.memory_space<vmem>> -> memref<1x128xi32, #tpu.memory_space<vmem>>
    %dma_start3A_31 = tpu.memref_squeeze %dma_start3A_30 : memref<1x128xi32, #tpu.memory_space<vmem>> -> memref<128xi32, #tpu.memory_space<vmem>>
    %dma_start3A_32 = arith.constant 0 : i32
    %dma_start3A_33 = arith.constant 0 : i32
    %dma_start3A_34 = tpu.memref_slice %arg2[%dma_start3A_32, %dma_start3A_33] : memref<10240x128xf32, #tpu.memory_space<hbm>> -> memref<10240x128xf32, #tpu.memory_space<hbm>>
    tpu.enqueue_indirect_dma source(%dma_start3A_34 : memref<10240x128xf32, #tpu.memory_space<hbm>>) target(%arg11 : memref<128x128xf32, #tpu.memory_space<vmem>>) offsets(%dma_start3A_31 : memref<128xi32, #tpu.memory_space<vmem>>) semaphore(%arg14 : memref<!tpu.dma_semaphore, #tpu.memory_space<semaphore_mem>>)
    %scan3A_35 = arith.constant 0 : i32
    %scan3A_36 = arith.constant 0 : i32
    %scan3A_37 = arith.constant 20 : i32
    %scan3A_38 = arith.addi %scan3A_36, %scan3A_37 : i32
    %scan3A_39 = arith.constant 1 : i32
    scf.for %scan3A_42 = %scan3A_36 to %scan3A_38 step %scan3A_39  : i32 {
      %mul3A_43 = arith.constant 2 : i32
      %mul3A_44 = arith.muli %mul3A_43, %scan3A_42 : i32
      %add3A_45 = arith.constant 1 : i32
      %add3A_46 = arith.addi %mul3A_44, %add3A_45 : i32
      %dma_wait3A = arith.constant 0 : i32
      %dma_wait3A_47 = tpu.memref_slice %arg8[%mul3A_44, %dma_wait3A] : memref<40x128xi32, #tpu.memory_space<vmem>> -> memref<1x128xi32, #tpu.memory_space<vmem>>
      %dma_wait3A_48 = tpu.memref_squeeze %dma_wait3A_47 : memref<1x128xi32, #tpu.memory_space<vmem>> -> memref<128xi32, #tpu.memory_space<vmem>>
      %dma_wait3A_49 = arith.constant 0 : i32
      %dma_wait3A_50 = arith.constant 0 : i32
      %dma_wait3A_51 = tpu.memref_slice %arg2[%dma_wait3A_49, %dma_wait3A_50] : memref<10240x128xf32, #tpu.memory_space<hbm>> -> memref<10240x128xf32, #tpu.memory_space<hbm>>
      tpu.wait_indirect_dma semaphore(%arg13 : memref<!tpu.dma_semaphore, #tpu.memory_space<semaphore_mem>>) src(%dma_wait3A_51 : memref<10240x128xf32, #tpu.memory_space<hbm>>) dst(%arg10 : memref<128x128xf32, #tpu.memory_space<vmem>>)
      "tpu.region"() ({
        %run_scoped3A = tpu.sem_alloc : memref<!tpu.dma_semaphore, #tpu.memory_space<semaphore_mem>>
        %dma_start3A_65 = arith.constant 0 : i32
        %dma_start3A_66 = tpu.memref_slice %arg9[%mul3A_44, %dma_start3A_65] : memref<40x128xi32, #tpu.memory_space<vmem>> -> memref<1x128xi32, #tpu.memory_space<vmem>>
        %dma_start3A_67 = tpu.memref_squeeze %dma_start3A_66 : memref<1x128xi32, #tpu.memory_space<vmem>> -> memref<128xi32, #tpu.memory_space<vmem>>
        %dma_start3A_68 = arith.constant 0 : i32
        %dma_start3A_69 = arith.constant 0 : i32
        %dma_start3A_70 = tpu.memref_slice %arg12[%dma_start3A_68, %dma_start3A_69] : memref<10240x128xf32, #tpu.memory_space<vmem_shared>> -> memref<10240x128xf32, #tpu.memory_space<vmem_shared>>
        tpu.enqueue_indirect_dma source(%arg10 : memref<128x128xf32, #tpu.memory_space<vmem>>) target(%dma_start3A_70 : memref<10240x128xf32, #tpu.memory_space<vmem_shared>>) offsets(%dma_start3A_67 : memref<128xi32, #tpu.memory_space<vmem>>) semaphore(%run_scoped3A : memref<!tpu.dma_semaphore, #tpu.memory_space<semaphore_mem>>) {add = true}
        %dma_wait3A_71 = arith.constant 0 : i32
        %dma_wait3A_72 = tpu.memref_slice %arg9[%mul3A_44, %dma_wait3A_71] : memref<40x128xi32, #tpu.memory_space<vmem>> -> memref<1x128xi32, #tpu.memory_space<vmem>>
        %dma_wait3A_73 = tpu.memref_squeeze %dma_wait3A_72 : memref<1x128xi32, #tpu.memory_space<vmem>> -> memref<128xi32, #tpu.memory_space<vmem>>
        %dma_wait3A_74 = arith.constant 0 : i32
        %dma_wait3A_75 = arith.constant 0 : i32
        %dma_wait3A_76 = tpu.memref_slice %arg12[%dma_wait3A_74, %dma_wait3A_75] : memref<10240x128xf32, #tpu.memory_space<vmem_shared>> -> memref<10240x128xf32, #tpu.memory_space<vmem_shared>>
        tpu.wait_indirect_dma semaphore(%run_scoped3A : memref<!tpu.dma_semaphore, #tpu.memory_space<semaphore_mem>>) src(%arg10 : memref<128x128xf32, #tpu.memory_space<vmem>>) dst(%dma_wait3A_76 : memref<10240x128xf32, #tpu.memory_space<vmem_shared>>)
        tpu.yield
      }) : () -> ()
      %lt3A = arith.constant 19 : i32
      %lt3A_52 = arith.cmpi slt, %scan3A_42, %lt3A : i32
      %convert_element_type3A = arith.extui %lt3A_52 : i1 to i32
      %cond3A = arith.constant 0 : i32
      %cond3A_53 = arith.cmpi ne, %convert_element_type3A, %cond3A : i32
      scf.if %cond3A_53 {
        %add3A_65 = arith.constant 2 : i32
        %add3A_66 = arith.addi %mul3A_44, %add3A_65 : i32
        %dma_start3A_67 = arith.constant 0 : i32
        %dma_start3A_68 = tpu.memref_slice %arg8[%add3A_66, %dma_start3A_67] : memref<40x128xi32, #tpu.memory_space<vmem>> -> memref<1x128xi32, #tpu.memory_space<vmem>>
        %dma_start3A_69 = tpu.memref_squeeze %dma_start3A_68 : memref<1x128xi32, #tpu.memory_space<vmem>> -> memref<128xi32, #tpu.memory_space<vmem>>
        %dma_start3A_70 = arith.constant 0 : i32
        %dma_start3A_71 = arith.constant 0 : i32
        %dma_start3A_72 = tpu.memref_slice %arg2[%dma_start3A_70, %dma_start3A_71] : memref<10240x128xf32, #tpu.memory_space<hbm>> -> memref<10240x128xf32, #tpu.memory_space<hbm>>
        tpu.enqueue_indirect_dma source(%dma_start3A_72 : memref<10240x128xf32, #tpu.memory_space<hbm>>) target(%arg10 : memref<128x128xf32, #tpu.memory_space<vmem>>) offsets(%dma_start3A_69 : memref<128xi32, #tpu.memory_space<vmem>>) semaphore(%arg13 : memref<!tpu.dma_semaphore, #tpu.memory_space<semaphore_mem>>)
      } else {
      }
      %dma_wait3A_54 = arith.constant 0 : i32
      %dma_wait3A_55 = tpu.memref_slice %arg8[%add3A_46, %dma_wait3A_54] : memref<40x128xi32, #tpu.memory_space<vmem>> -> memref<1x128xi32, #tpu.memory_space<vmem>>
      %dma_wait3A_56 = tpu.memref_squeeze %dma_wait3A_55 : memref<1x128xi32, #tpu.memory_space<vmem>> -> memref<128xi32, #tpu.memory_space<vmem>>
      %dma_wait3A_57 = arith.constant 0 : i32
      %dma_wait3A_58 = arith.constant 0 : i32
      %dma_wait3A_59 = tpu.memref_slice %arg2[%dma_wait3A_57, %dma_wait3A_58] : memref<10240x128xf32, #tpu.memory_space<hbm>> -> memref<10240x128xf32, #tpu.memory_space<hbm>>
      tpu.wait_indirect_dma semaphore(%arg14 : memref<!tpu.dma_semaphore, #tpu.memory_space<semaphore_mem>>) src(%dma_wait3A_59 : memref<10240x128xf32, #tpu.memory_space<hbm>>) dst(%arg11 : memref<128x128xf32, #tpu.memory_space<vmem>>)
      "tpu.region"() ({
        %run_scoped3A = tpu.sem_alloc : memref<!tpu.dma_semaphore, #tpu.memory_space<semaphore_mem>>
        %dma_start3A_65 = arith.constant 0 : i32
        %dma_start3A_66 = tpu.memref_slice %arg9[%add3A_46, %dma_start3A_65] : memref<40x128xi32, #tpu.memory_space<vmem>> -> memref<1x128xi32, #tpu.memory_space<vmem>>
        %dma_start3A_67 = tpu.memref_squeeze %dma_start3A_66 : memref<1x128xi32, #tpu.memory_space<vmem>> -> memref<128xi32, #tpu.memory_space<vmem>>
        %dma_start3A_68 = arith.constant 0 : i32
        %dma_start3A_69 = arith.constant 0 : i32
        %dma_start3A_70 = tpu.memref_slice %arg12[%dma_start3A_68, %dma_start3A_69] : memref<10240x128xf32, #tpu.memory_space<vmem_shared>> -> memref<10240x128xf32, #tpu.memory_space<vmem_shared>>
        tpu.enqueue_indirect_dma source(%arg11 : memref<128x128xf32, #tpu.memory_space<vmem>>) target(%dma_start3A_70 : memref<10240x128xf32, #tpu.memory_space<vmem_shared>>) offsets(%dma_start3A_67 : memref<128xi32, #tpu.memory_space<vmem>>) semaphore(%run_scoped3A : memref<!tpu.dma_semaphore, #tpu.memory_space<semaphore_mem>>) {add = true}
        %dma_wait3A_71 = arith.constant 0 : i32
        %dma_wait3A_72 = tpu.memref_slice %arg9[%add3A_46, %dma_wait3A_71] : memref<40x128xi32, #tpu.memory_space<vmem>> -> memref<1x128xi32, #tpu.memory_space<vmem>>
        %dma_wait3A_73 = tpu.memref_squeeze %dma_wait3A_72 : memref<1x128xi32, #tpu.memory_space<vmem>> -> memref<128xi32, #tpu.memory_space<vmem>>
        %dma_wait3A_74 = arith.constant 0 : i32
        %dma_wait3A_75 = arith.constant 0 : i32
        %dma_wait3A_76 = tpu.memref_slice %arg12[%dma_wait3A_74, %dma_wait3A_75] : memref<10240x128xf32, #tpu.memory_space<vmem_shared>> -> memref<10240x128xf32, #tpu.memory_space<vmem_shared>>
        tpu.wait_indirect_dma semaphore(%run_scoped3A : memref<!tpu.dma_semaphore, #tpu.memory_space<semaphore_mem>>) src(%arg11 : memref<128x128xf32, #tpu.memory_space<vmem>>) dst(%dma_wait3A_76 : memref<10240x128xf32, #tpu.memory_space<vmem_shared>>)
        tpu.yield
      }) : () -> ()
      %lt3A_60 = arith.constant 19 : i32
      %lt3A_61 = arith.cmpi slt, %scan3A_42, %lt3A_60 : i32
      %convert_element_type3A_62 = arith.extui %lt3A_61 : i1 to i32
      %cond3A_63 = arith.constant 0 : i32
      %cond3A_64 = arith.cmpi ne, %convert_element_type3A_62, %cond3A_63 : i32
      scf.if %cond3A_64 {
        %add3A_65 = arith.constant 3 : i32
        %add3A_66 = arith.addi %mul3A_44, %add3A_65 : i32
        %dma_start3A_67 = arith.constant 0 : i32
        %dma_start3A_68 = tpu.memref_slice %arg8[%add3A_66, %dma_start3A_67] : memref<40x128xi32, #tpu.memory_space<vmem>> -> memref<1x128xi32, #tpu.memory_space<vmem>>
        %dma_start3A_69 = tpu.memref_squeeze %dma_start3A_68 : memref<1x128xi32, #tpu.memory_space<vmem>> -> memref<128xi32, #tpu.memory_space<vmem>>
        %dma_start3A_70 = arith.constant 0 : i32
        %dma_start3A_71 = arith.constant 0 : i32
        %dma_start3A_72 = tpu.memref_slice %arg2[%dma_start3A_70, %dma_start3A_71] : memref<10240x128xf32, #tpu.memory_space<hbm>> -> memref<10240x128xf32, #tpu.memory_space<hbm>>
        tpu.enqueue_indirect_dma source(%dma_start3A_72 : memref<10240x128xf32, #tpu.memory_space<hbm>>) target(%arg11 : memref<128x128xf32, #tpu.memory_space<vmem>>) offsets(%dma_start3A_69 : memref<128xi32, #tpu.memory_space<vmem>>) semaphore(%arg14 : memref<!tpu.dma_semaphore, #tpu.memory_space<semaphore_mem>>)
      } else {
      }
    }
    %scan3A_40 = arith.constant 20 : i32
    %barrier3A_41 = arith.constant 0 : index
    tpu.barrier barrier_id(%barrier3A_41)
    "tpu.region"() ({
      %run_scoped3A = tpu.sem_alloc : memref<!tpu.dma_semaphore, #tpu.memory_space<semaphore_mem>>
      %dma_start3A_42 = arith.constant 0 : i32
      %dma_start3A_43 = tpu.memref_slice %arg7[%arg0, %mul3A_2, %dma_start3A_42] : memref<2x10240x128xf32, #tpu.memory_space<hbm>> -> memref<1x640x128xf32, #tpu.memory_space<hbm>>
      %dma_start3A_44 = tpu.memref_squeeze %dma_start3A_43 : memref<1x640x128xf32, #tpu.memory_space<hbm>> -> memref<640x128xf32, #tpu.memory_space<hbm>>
      %dma_start3A_45 = arith.constant 0 : i32
      %dma_start3A_46 = tpu.memref_slice %arg12[%mul3A_2, %dma_start3A_45] : memref<10240x128xf32, #tpu.memory_space<vmem_shared>> -> memref<640x128xf32, #tpu.memory_space<vmem_shared>>
      tpu.enqueue_dma source(%dma_start3A_46 : memref<640x128xf32, #tpu.memory_space<vmem_shared>>) target(%dma_start3A_44 : memref<640x128xf32, #tpu.memory_space<hbm>>) target_semaphore(%run_scoped3A : memref<!tpu.dma_semaphore, #tpu.memory_space<semaphore_mem>>)
      %dma_wait3A = arith.constant 0 : i32
      %dma_wait3A_47 = tpu.memref_slice %arg7[%arg0, %mul3A_2, %dma_wait3A] : memref<2x10240x128xf32, #tpu.memory_space<hbm>> -> memref<1x640x128xf32, #tpu.memory_space<hbm>>
      %dma_wait3A_48 = tpu.memref_squeeze %dma_wait3A_47 : memref<1x640x128xf32, #tpu.memory_space<hbm>> -> memref<640x128xf32, #tpu.memory_space<hbm>>
      %dma_wait3A_49 = arith.constant 0 : i32
      %dma_wait3A_50 = tpu.memref_slice %arg12[%mul3A_2, %dma_wait3A_49] : memref<10240x128xf32, #tpu.memory_space<vmem_shared>> -> memref<640x128xf32, #tpu.memory_space<vmem_shared>>
      tpu.wait_dma2 semaphore(%run_scoped3A : memref<!tpu.dma_semaphore, #tpu.memory_space<semaphore_mem>>) src(%dma_wait3A_50 : memref<640x128xf32, #tpu.memory_space<vmem_shared>>) dst(%dma_wait3A_48 : memref<640x128xf32, #tpu.memory_space<hbm>>)
      tpu.yield
    }) : () -> ()
    return
  }
}

#map = affine_map<(d0, d1) -> (0, 0, 0)>
#map1 = affine_map<(d0, d1) -> (0, 0)>
module attributes {stable_mosaic.version = 14 : i64} {
  func.func @_deg_kernel(%arg0: i32, %arg1: i32, %arg2: memref<32x80x128xi32, #tpu.memory_space<hbm>>, %arg3: memref<10240x16xf32, #tpu.memory_space<hbm>>, %arg4: memref<2x10240x16xf32, #tpu.memory_space<hbm>>, %arg5: memref<80x128xi32, #tpu.memory_space<vmem>>, %arg6: memref<128x16xf32, #tpu.memory_space<vmem>>, %arg7: memref<10240x16xf32, #tpu.memory_space<vmem_shared>>, %arg8: memref<!tpu.dma_semaphore, #tpu.memory_space<semaphore_mem>>) attributes {dimension_semantics = [#tpu.dimension_semantics<core_parallel>, #tpu.dimension_semantics<subcore_parallel>], iteration_bounds = array<i64: 2, 16>, scalar_prefetch = 0 : i64, scratch_operands = 4 : i64, tpu.core_type = #tpu.core_type<sc_vector_subcore>, window_params = [{transform_indices = #map}, {transform_indices = #map1}, {transform_indices = #map}]} {
    %mul3A = arith.constant 16 : i32
    %mul3A_0 = arith.muli %arg0, %mul3A : i32
    %add3A = arith.addi %mul3A_0, %arg1 : i32
    %mul3A_1 = arith.constant 640 : i32
    %mul3A_2 = arith.muli %arg1, %mul3A_1 : i32
    %scan3A = arith.constant 0 : i32
    %scan3A_3 = arith.constant 0 : i32
    %scan3A_4 = arith.constant 128 : i32
    %scan3A_5 = arith.addi %scan3A_3, %scan3A_4 : i32
    %scan3A_6 = arith.constant 1 : i32
    scf.for %scan3A_15 = %scan3A_3 to %scan3A_5 step %scan3A_6  : i32 {
      %broadcast_in_dim3A = arith.constant 1.000000e+00 : f32
      %broadcast_in_dim3A_16 = vector.broadcast %broadcast_in_dim3A : f32 to vector<16xf32>
      %swap3A = arith.index_cast %scan3A_15 : i32 to index
      %swap3A_17 = arith.constant 0 : index
      %swap3A_18 = tpu.vector_load %arg6[%swap3A, %swap3A_17] {strides = array<i32>} : memref<128x16xf32, #tpu.memory_space<vmem>>, vector<1x16xf32>,
      %swap3A_19 = vector.shape_cast %swap3A_18 : vector<1x16xf32> to vector<16xf32>
      %swap3A_20 = vector.shape_cast %broadcast_in_dim3A_16 : vector<16xf32> to vector<1x16xf32>
      tpu.vector_store %arg6[%swap3A, %swap3A_17], %swap3A_20 {strides = array<i32>} : memref<128x16xf32, #tpu.memory_space<vmem>>, vector<1x16xf32>,
    }
    %scan3A_7 = arith.constant 128 : i32
    "tpu.region"() ({
      %run_scoped3A = tpu.sem_alloc : memref<!tpu.dma_semaphore, #tpu.memory_space<semaphore_mem>>
      %dma_start3A = arith.constant 0 : i32
      %dma_start3A_15 = tpu.memref_slice %arg7[%mul3A_2, %dma_start3A] : memref<10240x16xf32, #tpu.memory_space<vmem_shared>> -> memref<640x16xf32, #tpu.memory_space<vmem_shared>>
      %dma_start3A_16 = arith.constant 0 : i32
      %dma_start3A_17 = tpu.memref_slice %arg3[%mul3A_2, %dma_start3A_16] : memref<10240x16xf32, #tpu.memory_space<hbm>> -> memref<640x16xf32, #tpu.memory_space<hbm>>
      tpu.enqueue_dma source(%dma_start3A_17 : memref<640x16xf32, #tpu.memory_space<hbm>>) target(%dma_start3A_15 : memref<640x16xf32, #tpu.memory_space<vmem_shared>>) target_semaphore(%run_scoped3A : memref<!tpu.dma_semaphore, #tpu.memory_space<semaphore_mem>>)
      %dma_wait3A = arith.constant 0 : i32
      %dma_wait3A_18 = tpu.memref_slice %arg7[%mul3A_2, %dma_wait3A] : memref<10240x16xf32, #tpu.memory_space<vmem_shared>> -> memref<640x16xf32, #tpu.memory_space<vmem_shared>>
      %dma_wait3A_19 = arith.constant 0 : i32
      %dma_wait3A_20 = tpu.memref_slice %arg3[%mul3A_2, %dma_wait3A_19] : memref<10240x16xf32, #tpu.memory_space<hbm>> -> memref<640x16xf32, #tpu.memory_space<hbm>>
      tpu.wait_dma2 semaphore(%run_scoped3A : memref<!tpu.dma_semaphore, #tpu.memory_space<semaphore_mem>>) src(%dma_wait3A_20 : memref<640x16xf32, #tpu.memory_space<hbm>>) dst(%dma_wait3A_18 : memref<640x16xf32, #tpu.memory_space<vmem_shared>>)
      tpu.yield
    }) : () -> ()
    "tpu.region"() ({
      %run_scoped3A = tpu.sem_alloc : memref<!tpu.dma_semaphore, #tpu.memory_space<semaphore_mem>>
      %dma_start3A = arith.constant 0 : i32
      %dma_start3A_15 = arith.constant 0 : i32
      %dma_start3A_16 = tpu.memref_slice %arg2[%add3A, %dma_start3A, %dma_start3A_15] : memref<32x80x128xi32, #tpu.memory_space<hbm>> -> memref<1x80x128xi32, #tpu.memory_space<hbm>>
      %dma_start3A_17 = tpu.memref_squeeze %dma_start3A_16 : memref<1x80x128xi32, #tpu.memory_space<hbm>> -> memref<80x128xi32, #tpu.memory_space<hbm>>
      %dma_start3A_18 = arith.constant 0 : i32
      %dma_start3A_19 = arith.constant 0 : i32
      %dma_start3A_20 = tpu.memref_slice %arg2[%add3A, %dma_start3A_18, %dma_start3A_19] : memref<32x80x128xi32, #tpu.memory_space<hbm>> -> memref<1x80x128xi32, #tpu.memory_space<hbm>>
      %dma_start3A_21 = tpu.memref_squeeze %dma_start3A_20 : memref<1x80x128xi32, #tpu.memory_space<hbm>> -> memref<80x128xi32, #tpu.memory_space<hbm>>
      tpu.enqueue_dma source(%dma_start3A_21 : memref<80x128xi32, #tpu.memory_space<hbm>>) target(%arg5 : memref<80x128xi32, #tpu.memory_space<vmem>>) target_semaphore(%run_scoped3A : memref<!tpu.dma_semaphore, #tpu.memory_space<semaphore_mem>>)
      %dma_wait3A = arith.constant 0 : i32
      %dma_wait3A_22 = arith.constant 0 : i32
      %dma_wait3A_23 = tpu.memref_slice %arg2[%add3A, %dma_wait3A, %dma_wait3A_22] : memref<32x80x128xi32, #tpu.memory_space<hbm>> -> memref<1x80x128xi32, #tpu.memory_space<hbm>>
      %dma_wait3A_24 = tpu.memref_squeeze %dma_wait3A_23 : memref<1x80x128xi32, #tpu.memory_space<hbm>> -> memref<80x128xi32, #tpu.memory_space<hbm>>
      %dma_wait3A_25 = arith.constant 0 : i32
      %dma_wait3A_26 = arith.constant 0 : i32
      %dma_wait3A_27 = tpu.memref_slice %arg2[%add3A, %dma_wait3A_25, %dma_wait3A_26] : memref<32x80x128xi32, #tpu.memory_space<hbm>> -> memref<1x80x128xi32, #tpu.memory_space<hbm>>
      %dma_wait3A_28 = tpu.memref_squeeze %dma_wait3A_27 : memref<1x80x128xi32, #tpu.memory_space<hbm>> -> memref<80x128xi32, #tpu.memory_space<hbm>>
      tpu.wait_dma2 semaphore(%run_scoped3A : memref<!tpu.dma_semaphore, #tpu.memory_space<semaphore_mem>>) src(%dma_wait3A_28 : memref<80x128xi32, #tpu.memory_space<hbm>>) dst(%arg5 : memref<80x128xi32, #tpu.memory_space<vmem>>)
      tpu.yield
    }) : () -> ()
    %barrier3A = arith.constant 0 : index
    tpu.barrier barrier_id(%barrier3A)
    %scan3A_8 = arith.constant 0 : i32
    %scan3A_9 = arith.constant 0 : i32
    %scan3A_10 = arith.constant 80 : i32
    %scan3A_11 = arith.addi %scan3A_9, %scan3A_10 : i32
    %scan3A_12 = arith.constant 1 : i32
    scf.for %scan3A_15 = %scan3A_9 to %scan3A_11 step %scan3A_12  : i32 {
      "tpu.region"() ({
        %run_scoped3A = tpu.sem_alloc : memref<!tpu.dma_semaphore, #tpu.memory_space<semaphore_mem>>
        %dma_start3A = arith.constant 0 : i32
        %dma_start3A_16 = tpu.memref_slice %arg5[%scan3A_15, %dma_start3A] : memref<80x128xi32, #tpu.memory_space<vmem>> -> memref<1x128xi32, #tpu.memory_space<vmem>>
        %dma_start3A_17 = tpu.memref_squeeze %dma_start3A_16 : memref<1x128xi32, #tpu.memory_space<vmem>> -> memref<128xi32, #tpu.memory_space<vmem>>
        %dma_start3A_18 = arith.constant 0 : i32
        %dma_start3A_19 = arith.constant 0 : i32
        %dma_start3A_20 = tpu.memref_slice %arg7[%dma_start3A_18, %dma_start3A_19] : memref<10240x16xf32, #tpu.memory_space<vmem_shared>> -> memref<10240x16xf32, #tpu.memory_space<vmem_shared>>
        tpu.enqueue_indirect_dma source(%arg6 : memref<128x16xf32, #tpu.memory_space<vmem>>) target(%dma_start3A_20 : memref<10240x16xf32, #tpu.memory_space<vmem_shared>>) offsets(%dma_start3A_17 : memref<128xi32, #tpu.memory_space<vmem>>) semaphore(%run_scoped3A : memref<!tpu.dma_semaphore, #tpu.memory_space<semaphore_mem>>) {add = true}
        %dma_wait3A = arith.constant 0 : i32
        %dma_wait3A_21 = tpu.memref_slice %arg5[%scan3A_15, %dma_wait3A] : memref<80x128xi32, #tpu.memory_space<vmem>> -> memref<1x128xi32, #tpu.memory_space<vmem>>
        %dma_wait3A_22 = tpu.memref_squeeze %dma_wait3A_21 : memref<1x128xi32, #tpu.memory_space<vmem>> -> memref<128xi32, #tpu.memory_space<vmem>>
        %dma_wait3A_23 = arith.constant 0 : i32
        %dma_wait3A_24 = arith.constant 0 : i32
        %dma_wait3A_25 = tpu.memref_slice %arg7[%dma_wait3A_23, %dma_wait3A_24] : memref<10240x16xf32, #tpu.memory_space<vmem_shared>> -> memref<10240x16xf32, #tpu.memory_space<vmem_shared>>
        tpu.wait_indirect_dma semaphore(%run_scoped3A : memref<!tpu.dma_semaphore, #tpu.memory_space<semaphore_mem>>) src(%arg6 : memref<128x16xf32, #tpu.memory_space<vmem>>) dst(%dma_wait3A_25 : memref<10240x16xf32, #tpu.memory_space<vmem_shared>>)
        tpu.yield
      }) : () -> ()
    }
    %scan3A_13 = arith.constant 80 : i32
    %barrier3A_14 = arith.constant 0 : index
    tpu.barrier barrier_id(%barrier3A_14)
    "tpu.region"() ({
      %run_scoped3A = tpu.sem_alloc : memref<!tpu.dma_semaphore, #tpu.memory_space<semaphore_mem>>
      %dma_start3A = arith.constant 0 : i32
      %dma_start3A_15 = tpu.memref_slice %arg4[%arg0, %mul3A_2, %dma_start3A] : memref<2x10240x16xf32, #tpu.memory_space<hbm>> -> memref<1x640x16xf32, #tpu.memory_space<hbm>>
      %dma_start3A_16 = tpu.memref_squeeze %dma_start3A_15 : memref<1x640x16xf32, #tpu.memory_space<hbm>> -> memref<640x16xf32, #tpu.memory_space<hbm>>
      %dma_start3A_17 = arith.constant 0 : i32
      %dma_start3A_18 = tpu.memref_slice %arg7[%mul3A_2, %dma_start3A_17] : memref<10240x16xf32, #tpu.memory_space<vmem_shared>> -> memref<640x16xf32, #tpu.memory_space<vmem_shared>>
      tpu.enqueue_dma source(%dma_start3A_18 : memref<640x16xf32, #tpu.memory_space<vmem_shared>>) target(%dma_start3A_16 : memref<640x16xf32, #tpu.memory_space<hbm>>) target_semaphore(%run_scoped3A : memref<!tpu.dma_semaphore, #tpu.memory_space<semaphore_mem>>)
      %dma_wait3A = arith.constant 0 : i32
      %dma_wait3A_19 = tpu.memref_slice %arg4[%arg0, %mul3A_2, %dma_wait3A] : memref<2x10240x16xf32, #tpu.memory_space<hbm>> -> memref<1x640x16xf32, #tpu.memory_space<hbm>>
      %dma_wait3A_20 = tpu.memref_squeeze %dma_wait3A_19 : memref<1x640x16xf32, #tpu.memory_space<hbm>> -> memref<640x16xf32, #tpu.memory_space<hbm>>
      %dma_wait3A_21 = arith.constant 0 : i32
      %dma_wait3A_22 = tpu.memref_slice %arg7[%mul3A_2, %dma_wait3A_21] : memref<10240x16xf32, #tpu.memory_space<vmem_shared>> -> memref<640x16xf32, #tpu.memory_space<vmem_shared>>
      tpu.wait_dma2 semaphore(%run_scoped3A : memref<!tpu.dma_semaphore, #tpu.memory_space<semaphore_mem>>) src(%dma_wait3A_22 : memref<640x16xf32, #tpu.memory_space<vmem_shared>>) dst(%dma_wait3A_20 : memref<640x16xf32, #tpu.memory_space<hbm>>)
      tpu.yield
    }) : () -> ()
    return
  }
}

#map = affine_map<(d0, d1) -> (0, 0)>
#map1 = affine_map<(d0, d1) -> (0, 0, 0)>
module attributes {stable_mosaic.version = 14 : i64} {
  func.func @_hop_kernel(%arg0: i32, %arg1: i32, %arg2: memref<10240x128xf32, #tpu.memory_space<hbm>>, %arg3: memref<32x40x128xi32, #tpu.memory_space<hbm>>, %arg4: memref<32x40x128xi32, #tpu.memory_space<hbm>>, %arg5: memref<32x40x128xi32, #tpu.memory_space<hbm>>, %arg6: memref<32x40x128xi32, #tpu.memory_space<hbm>>, %arg7: memref<2x10240x128xf32, #tpu.memory_space<hbm>>, %arg8: memref<40x128xi32, #tpu.memory_space<vmem>>, %arg9: memref<40x128xi32, #tpu.memory_space<vmem>>, %arg10: memref<128x128xf32, #tpu.memory_space<vmem>>, %arg11: memref<128x128xf32, #tpu.memory_space<vmem>>, %arg12: memref<10240x128xf32, #tpu.memory_space<vmem_shared>>, %arg13: memref<!tpu.dma_semaphore, #tpu.memory_space<semaphore_mem>>, %arg14: memref<!tpu.dma_semaphore, #tpu.memory_space<semaphore_mem>>, %arg15: memref<!tpu.dma_semaphore, #tpu.memory_space<semaphore_mem>>, %arg16: memref<!tpu.dma_semaphore, #tpu.memory_space<semaphore_mem>>) attributes {dimension_semantics = [#tpu.dimension_semantics<core_parallel>, #tpu.dimension_semantics<subcore_parallel>], iteration_bounds = array<i64: 2, 16>, scalar_prefetch = 0 : i64, scratch_operands = 9 : i64, tpu.core_type = #tpu.core_type<sc_vector_subcore>, window_params = [{transform_indices = #map}, {transform_indices = #map1}, {transform_indices = #map1}, {transform_indices = #map1}, {transform_indices = #map1}, {transform_indices = #map1}]} {
    %mul3A = arith.constant 16 : i32
    %mul3A_0 = arith.muli %arg0, %mul3A : i32
    %add3A = arith.addi %mul3A_0, %arg1 : i32
    %mul3A_1 = arith.constant 640 : i32
    %mul3A_2 = arith.muli %arg1, %mul3A_1 : i32
    "tpu.region"() ({
      %run_scoped3A = tpu.sem_alloc : memref<!tpu.dma_semaphore, #tpu.memory_space<semaphore_mem>>
      %dma_start3A_42 = arith.constant 0 : i32
      %dma_start3A_43 = tpu.memref_slice %arg12[%mul3A_2, %dma_start3A_42] : memref<10240x128xf32, #tpu.memory_space<vmem_shared>> -> memref<640x128xf32, #tpu.memory_space<vmem_shared>>
      %dma_start3A_44 = arith.constant 0 : i32
      %dma_start3A_45 = tpu.memref_slice %arg2[%mul3A_2, %dma_start3A_44] : memref<10240x128xf32, #tpu.memory_space<hbm>> -> memref<640x128xf32, #tpu.memory_space<hbm>>
      tpu.enqueue_dma source(%dma_start3A_45 : memref<640x128xf32, #tpu.memory_space<hbm>>) target(%dma_start3A_43 : memref<640x128xf32, #tpu.memory_space<vmem_shared>>) target_semaphore(%run_scoped3A : memref<!tpu.dma_semaphore, #tpu.memory_space<semaphore_mem>>)
      %dma_wait3A = arith.constant 0 : i32
      %dma_wait3A_46 = tpu.memref_slice %arg12[%mul3A_2, %dma_wait3A] : memref<10240x128xf32, #tpu.memory_space<vmem_shared>> -> memref<640x128xf32, #tpu.memory_space<vmem_shared>>
      %dma_wait3A_47 = arith.constant 0 : i32
      %dma_wait3A_48 = tpu.memref_slice %arg2[%mul3A_2, %dma_wait3A_47] : memref<10240x128xf32, #tpu.memory_space<hbm>> -> memref<640x128xf32, #tpu.memory_space<hbm>>
      tpu.wait_dma2 semaphore(%run_scoped3A : memref<!tpu.dma_semaphore, #tpu.memory_space<semaphore_mem>>) src(%dma_wait3A_48 : memref<640x128xf32, #tpu.memory_space<hbm>>) dst(%dma_wait3A_46 : memref<640x128xf32, #tpu.memory_space<vmem_shared>>)
      tpu.yield
    }) : () -> ()
    %barrier3A = arith.constant 0 : index
    tpu.barrier barrier_id(%barrier3A)
    "tpu.region"() ({
      %run_scoped3A = tpu.sem_alloc : memref<!tpu.dma_semaphore, #tpu.memory_space<semaphore_mem>>
      %dma_start3A_42 = arith.constant 0 : i32
      %dma_start3A_43 = arith.constant 0 : i32
      %dma_start3A_44 = tpu.memref_slice %arg3[%add3A, %dma_start3A_42, %dma_start3A_43] : memref<32x40x128xi32, #tpu.memory_space<hbm>> -> memref<1x40x128xi32, #tpu.memory_space<hbm>>
      %dma_start3A_45 = tpu.memref_squeeze %dma_start3A_44 : memref<1x40x128xi32, #tpu.memory_space<hbm>> -> memref<40x128xi32, #tpu.memory_space<hbm>>
      %dma_start3A_46 = arith.constant 0 : i32
      %dma_start3A_47 = arith.constant 0 : i32
      %dma_start3A_48 = tpu.memref_slice %arg3[%add3A, %dma_start3A_46, %dma_start3A_47] : memref<32x40x128xi32, #tpu.memory_space<hbm>> -> memref<1x40x128xi32, #tpu.memory_space<hbm>>
      %dma_start3A_49 = tpu.memref_squeeze %dma_start3A_48 : memref<1x40x128xi32, #tpu.memory_space<hbm>> -> memref<40x128xi32, #tpu.memory_space<hbm>>
      tpu.enqueue_dma source(%dma_start3A_49 : memref<40x128xi32, #tpu.memory_space<hbm>>) target(%arg8 : memref<40x128xi32, #tpu.memory_space<vmem>>) target_semaphore(%run_scoped3A : memref<!tpu.dma_semaphore, #tpu.memory_space<semaphore_mem>>)
      %dma_wait3A = arith.constant 0 : i32
      %dma_wait3A_50 = arith.constant 0 : i32
      %dma_wait3A_51 = tpu.memref_slice %arg3[%add3A, %dma_wait3A, %dma_wait3A_50] : memref<32x40x128xi32, #tpu.memory_space<hbm>> -> memref<1x40x128xi32, #tpu.memory_space<hbm>>
      %dma_wait3A_52 = tpu.memref_squeeze %dma_wait3A_51 : memref<1x40x128xi32, #tpu.memory_space<hbm>> -> memref<40x128xi32, #tpu.memory_space<hbm>>
      %dma_wait3A_53 = arith.constant 0 : i32
      %dma_wait3A_54 = arith.constant 0 : i32
      %dma_wait3A_55 = tpu.memref_slice %arg3[%add3A, %dma_wait3A_53, %dma_wait3A_54] : memref<32x40x128xi32, #tpu.memory_space<hbm>> -> memref<1x40x128xi32, #tpu.memory_space<hbm>>
      %dma_wait3A_56 = tpu.memref_squeeze %dma_wait3A_55 : memref<1x40x128xi32, #tpu.memory_space<hbm>> -> memref<40x128xi32, #tpu.memory_space<hbm>>
      tpu.wait_dma2 semaphore(%run_scoped3A : memref<!tpu.dma_semaphore, #tpu.memory_space<semaphore_mem>>) src(%dma_wait3A_56 : memref<40x128xi32, #tpu.memory_space<hbm>>) dst(%arg8 : memref<40x128xi32, #tpu.memory_space<vmem>>)
      tpu.yield
    }) : () -> ()
    "tpu.region"() ({
      %run_scoped3A = tpu.sem_alloc : memref<!tpu.dma_semaphore, #tpu.memory_space<semaphore_mem>>
      %dma_start3A_42 = arith.constant 0 : i32
      %dma_start3A_43 = arith.constant 0 : i32
      %dma_start3A_44 = tpu.memref_slice %arg4[%add3A, %dma_start3A_42, %dma_start3A_43] : memref<32x40x128xi32, #tpu.memory_space<hbm>> -> memref<1x40x128xi32, #tpu.memory_space<hbm>>
      %dma_start3A_45 = tpu.memref_squeeze %dma_start3A_44 : memref<1x40x128xi32, #tpu.memory_space<hbm>> -> memref<40x128xi32, #tpu.memory_space<hbm>>
      %dma_start3A_46 = arith.constant 0 : i32
      %dma_start3A_47 = arith.constant 0 : i32
      %dma_start3A_48 = tpu.memref_slice %arg4[%add3A, %dma_start3A_46, %dma_start3A_47] : memref<32x40x128xi32, #tpu.memory_space<hbm>> -> memref<1x40x128xi32, #tpu.memory_space<hbm>>
      %dma_start3A_49 = tpu.memref_squeeze %dma_start3A_48 : memref<1x40x128xi32, #tpu.memory_space<hbm>> -> memref<40x128xi32, #tpu.memory_space<hbm>>
      tpu.enqueue_dma source(%dma_start3A_49 : memref<40x128xi32, #tpu.memory_space<hbm>>) target(%arg9 : memref<40x128xi32, #tpu.memory_space<vmem>>) target_semaphore(%run_scoped3A : memref<!tpu.dma_semaphore, #tpu.memory_space<semaphore_mem>>)
      %dma_wait3A = arith.constant 0 : i32
      %dma_wait3A_50 = arith.constant 0 : i32
      %dma_wait3A_51 = tpu.memref_slice %arg4[%add3A, %dma_wait3A, %dma_wait3A_50] : memref<32x40x128xi32, #tpu.memory_space<hbm>> -> memref<1x40x128xi32, #tpu.memory_space<hbm>>
      %dma_wait3A_52 = tpu.memref_squeeze %dma_wait3A_51 : memref<1x40x128xi32, #tpu.memory_space<hbm>> -> memref<40x128xi32, #tpu.memory_space<hbm>>
      %dma_wait3A_53 = arith.constant 0 : i32
      %dma_wait3A_54 = arith.constant 0 : i32
      %dma_wait3A_55 = tpu.memref_slice %arg4[%add3A, %dma_wait3A_53, %dma_wait3A_54] : memref<32x40x128xi32, #tpu.memory_space<hbm>> -> memref<1x40x128xi32, #tpu.memory_space<hbm>>
      %dma_wait3A_56 = tpu.memref_squeeze %dma_wait3A_55 : memref<1x40x128xi32, #tpu.memory_space<hbm>> -> memref<40x128xi32, #tpu.memory_space<hbm>>
      tpu.wait_dma2 semaphore(%run_scoped3A : memref<!tpu.dma_semaphore, #tpu.memory_space<semaphore_mem>>) src(%dma_wait3A_56 : memref<40x128xi32, #tpu.memory_space<hbm>>) dst(%arg9 : memref<40x128xi32, #tpu.memory_space<vmem>>)
      tpu.yield
    }) : () -> ()
    %dma_start3A = arith.constant 0 : i32
    %dma_start3A_3 = arith.constant 0 : i32
    %dma_start3A_4 = tpu.memref_slice %arg8[%dma_start3A, %dma_start3A_3] : memref<40x128xi32, #tpu.memory_space<vmem>> -> memref<1x128xi32, #tpu.memory_space<vmem>>
    %dma_start3A_5 = tpu.memref_squeeze %dma_start3A_4 : memref<1x128xi32, #tpu.memory_space<vmem>> -> memref<128xi32, #tpu.memory_space<vmem>>
    %dma_start3A_6 = arith.constant 0 : i32
    %dma_start3A_7 = arith.constant 0 : i32
    %dma_start3A_8 = tpu.memref_slice %arg2[%dma_start3A_6, %dma_start3A_7] : memref<10240x128xf32, #tpu.memory_space<hbm>> -> memref<10240x128xf32, #tpu.memory_space<hbm>>
    tpu.enqueue_indirect_dma source(%dma_start3A_8 : memref<10240x128xf32, #tpu.memory_space<hbm>>) target(%arg10 : memref<128x128xf32, #tpu.memory_space<vmem>>) offsets(%dma_start3A_5 : memref<128xi32, #tpu.memory_space<vmem>>) semaphore(%arg13 : memref<!tpu.dma_semaphore, #tpu.memory_space<semaphore_mem>>)
    %dma_start3A_9 = arith.constant 1 : i32
    %dma_start3A_10 = arith.constant 0 : i32
    %dma_start3A_11 = tpu.memref_slice %arg8[%dma_start3A_9, %dma_start3A_10] : memref<40x128xi32, #tpu.memory_space<vmem>> -> memref<1x128xi32, #tpu.memory_space<vmem>>
    %dma_start3A_12 = tpu.memref_squeeze %dma_start3A_11 : memref<1x128xi32, #tpu.memory_space<vmem>> -> memref<128xi32, #tpu.memory_space<vmem>>
    %dma_start3A_13 = arith.constant 0 : i32
    %dma_start3A_14 = arith.constant 0 : i32
    %dma_start3A_15 = tpu.memref_slice %arg2[%dma_start3A_13, %dma_start3A_14] : memref<10240x128xf32, #tpu.memory_space<hbm>> -> memref<10240x128xf32, #tpu.memory_space<hbm>>
    tpu.enqueue_indirect_dma source(%dma_start3A_15 : memref<10240x128xf32, #tpu.memory_space<hbm>>) target(%arg11 : memref<128x128xf32, #tpu.memory_space<vmem>>) offsets(%dma_start3A_12 : memref<128xi32, #tpu.memory_space<vmem>>) semaphore(%arg14 : memref<!tpu.dma_semaphore, #tpu.memory_space<semaphore_mem>>)
    %scan3A = arith.constant 0 : i32
    %scan3A_16 = arith.constant 0 : i32
    %scan3A_17 = arith.constant 20 : i32
    %scan3A_18 = arith.addi %scan3A_16, %scan3A_17 : i32
    %scan3A_19 = arith.constant 1 : i32
    scf.for %scan3A_42 = %scan3A_16 to %scan3A_18 step %scan3A_19  : i32 {
      %mul3A_43 = arith.constant 2 : i32
      %mul3A_44 = arith.muli %mul3A_43, %scan3A_42 : i32
      %add3A_45 = arith.constant 1 : i32
      %add3A_46 = arith.addi %mul3A_44, %add3A_45 : i32
      %dma_wait3A = arith.constant 0 : i32
      %dma_wait3A_47 = tpu.memref_slice %arg8[%mul3A_44, %dma_wait3A] : memref<40x128xi32, #tpu.memory_space<vmem>> -> memref<1x128xi32, #tpu.memory_space<vmem>>
      %dma_wait3A_48 = tpu.memref_squeeze %dma_wait3A_47 : memref<1x128xi32, #tpu.memory_space<vmem>> -> memref<128xi32, #tpu.memory_space<vmem>>
      %dma_wait3A_49 = arith.constant 0 : i32
      %dma_wait3A_50 = arith.constant 0 : i32
      %dma_wait3A_51 = tpu.memref_slice %arg2[%dma_wait3A_49, %dma_wait3A_50] : memref<10240x128xf32, #tpu.memory_space<hbm>> -> memref<10240x128xf32, #tpu.memory_space<hbm>>
      tpu.wait_indirect_dma semaphore(%arg13 : memref<!tpu.dma_semaphore, #tpu.memory_space<semaphore_mem>>) src(%dma_wait3A_51 : memref<10240x128xf32, #tpu.memory_space<hbm>>) dst(%arg10 : memref<128x128xf32, #tpu.memory_space<vmem>>)
      "tpu.region"() ({
        %run_scoped3A = tpu.sem_alloc : memref<!tpu.dma_semaphore, #tpu.memory_space<semaphore_mem>>
        %dma_start3A_65 = arith.constant 0 : i32
        %dma_start3A_66 = tpu.memref_slice %arg9[%mul3A_44, %dma_start3A_65] : memref<40x128xi32, #tpu.memory_space<vmem>> -> memref<1x128xi32, #tpu.memory_space<vmem>>
        %dma_start3A_67 = tpu.memref_squeeze %dma_start3A_66 : memref<1x128xi32, #tpu.memory_space<vmem>> -> memref<128xi32, #tpu.memory_space<vmem>>
        %dma_start3A_68 = arith.constant 0 : i32
        %dma_start3A_69 = arith.constant 0 : i32
        %dma_start3A_70 = tpu.memref_slice %arg12[%dma_start3A_68, %dma_start3A_69] : memref<10240x128xf32, #tpu.memory_space<vmem_shared>> -> memref<10240x128xf32, #tpu.memory_space<vmem_shared>>
        tpu.enqueue_indirect_dma source(%arg10 : memref<128x128xf32, #tpu.memory_space<vmem>>) target(%dma_start3A_70 : memref<10240x128xf32, #tpu.memory_space<vmem_shared>>) offsets(%dma_start3A_67 : memref<128xi32, #tpu.memory_space<vmem>>) semaphore(%run_scoped3A : memref<!tpu.dma_semaphore, #tpu.memory_space<semaphore_mem>>) {add = true}
        %dma_wait3A_71 = arith.constant 0 : i32
        %dma_wait3A_72 = tpu.memref_slice %arg9[%mul3A_44, %dma_wait3A_71] : memref<40x128xi32, #tpu.memory_space<vmem>> -> memref<1x128xi32, #tpu.memory_space<vmem>>
        %dma_wait3A_73 = tpu.memref_squeeze %dma_wait3A_72 : memref<1x128xi32, #tpu.memory_space<vmem>> -> memref<128xi32, #tpu.memory_space<vmem>>
        %dma_wait3A_74 = arith.constant 0 : i32
        %dma_wait3A_75 = arith.constant 0 : i32
        %dma_wait3A_76 = tpu.memref_slice %arg12[%dma_wait3A_74, %dma_wait3A_75] : memref<10240x128xf32, #tpu.memory_space<vmem_shared>> -> memref<10240x128xf32, #tpu.memory_space<vmem_shared>>
        tpu.wait_indirect_dma semaphore(%run_scoped3A : memref<!tpu.dma_semaphore, #tpu.memory_space<semaphore_mem>>) src(%arg10 : memref<128x128xf32, #tpu.memory_space<vmem>>) dst(%dma_wait3A_76 : memref<10240x128xf32, #tpu.memory_space<vmem_shared>>)
        tpu.yield
      }) : () -> ()
      %lt3A = arith.constant 19 : i32
      %lt3A_52 = arith.cmpi slt, %scan3A_42, %lt3A : i32
      %convert_element_type3A = arith.extui %lt3A_52 : i1 to i32
      %cond3A = arith.constant 0 : i32
      %cond3A_53 = arith.cmpi ne, %convert_element_type3A, %cond3A : i32
      scf.if %cond3A_53 {
        %add3A_65 = arith.constant 2 : i32
        %add3A_66 = arith.addi %mul3A_44, %add3A_65 : i32
        %dma_start3A_67 = arith.constant 0 : i32
        %dma_start3A_68 = tpu.memref_slice %arg8[%add3A_66, %dma_start3A_67] : memref<40x128xi32, #tpu.memory_space<vmem>> -> memref<1x128xi32, #tpu.memory_space<vmem>>
        %dma_start3A_69 = tpu.memref_squeeze %dma_start3A_68 : memref<1x128xi32, #tpu.memory_space<vmem>> -> memref<128xi32, #tpu.memory_space<vmem>>
        %dma_start3A_70 = arith.constant 0 : i32
        %dma_start3A_71 = arith.constant 0 : i32
        %dma_start3A_72 = tpu.memref_slice %arg2[%dma_start3A_70, %dma_start3A_71] : memref<10240x128xf32, #tpu.memory_space<hbm>> -> memref<10240x128xf32, #tpu.memory_space<hbm>>
        tpu.enqueue_indirect_dma source(%dma_start3A_72 : memref<10240x128xf32, #tpu.memory_space<hbm>>) target(%arg10 : memref<128x128xf32, #tpu.memory_space<vmem>>) offsets(%dma_start3A_69 : memref<128xi32, #tpu.memory_space<vmem>>) semaphore(%arg13 : memref<!tpu.dma_semaphore, #tpu.memory_space<semaphore_mem>>)
      } else {
      }
      %dma_wait3A_54 = arith.constant 0 : i32
      %dma_wait3A_55 = tpu.memref_slice %arg8[%add3A_46, %dma_wait3A_54] : memref<40x128xi32, #tpu.memory_space<vmem>> -> memref<1x128xi32, #tpu.memory_space<vmem>>
      %dma_wait3A_56 = tpu.memref_squeeze %dma_wait3A_55 : memref<1x128xi32, #tpu.memory_space<vmem>> -> memref<128xi32, #tpu.memory_space<vmem>>
      %dma_wait3A_57 = arith.constant 0 : i32
      %dma_wait3A_58 = arith.constant 0 : i32
      %dma_wait3A_59 = tpu.memref_slice %arg2[%dma_wait3A_57, %dma_wait3A_58] : memref<10240x128xf32, #tpu.memory_space<hbm>> -> memref<10240x128xf32, #tpu.memory_space<hbm>>
      tpu.wait_indirect_dma semaphore(%arg14 : memref<!tpu.dma_semaphore, #tpu.memory_space<semaphore_mem>>) src(%dma_wait3A_59 : memref<10240x128xf32, #tpu.memory_space<hbm>>) dst(%arg11 : memref<128x128xf32, #tpu.memory_space<vmem>>)
      "tpu.region"() ({
        %run_scoped3A = tpu.sem_alloc : memref<!tpu.dma_semaphore, #tpu.memory_space<semaphore_mem>>
        %dma_start3A_65 = arith.constant 0 : i32
        %dma_start3A_66 = tpu.memref_slice %arg9[%add3A_46, %dma_start3A_65] : memref<40x128xi32, #tpu.memory_space<vmem>> -> memref<1x128xi32, #tpu.memory_space<vmem>>
        %dma_start3A_67 = tpu.memref_squeeze %dma_start3A_66 : memref<1x128xi32, #tpu.memory_space<vmem>> -> memref<128xi32, #tpu.memory_space<vmem>>
        %dma_start3A_68 = arith.constant 0 : i32
        %dma_start3A_69 = arith.constant 0 : i32
        %dma_start3A_70 = tpu.memref_slice %arg12[%dma_start3A_68, %dma_start3A_69] : memref<10240x128xf32, #tpu.memory_space<vmem_shared>> -> memref<10240x128xf32, #tpu.memory_space<vmem_shared>>
        tpu.enqueue_indirect_dma source(%arg11 : memref<128x128xf32, #tpu.memory_space<vmem>>) target(%dma_start3A_70 : memref<10240x128xf32, #tpu.memory_space<vmem_shared>>) offsets(%dma_start3A_67 : memref<128xi32, #tpu.memory_space<vmem>>) semaphore(%run_scoped3A : memref<!tpu.dma_semaphore, #tpu.memory_space<semaphore_mem>>) {add = true}
        %dma_wait3A_71 = arith.constant 0 : i32
        %dma_wait3A_72 = tpu.memref_slice %arg9[%add3A_46, %dma_wait3A_71] : memref<40x128xi32, #tpu.memory_space<vmem>> -> memref<1x128xi32, #tpu.memory_space<vmem>>
        %dma_wait3A_73 = tpu.memref_squeeze %dma_wait3A_72 : memref<1x128xi32, #tpu.memory_space<vmem>> -> memref<128xi32, #tpu.memory_space<vmem>>
        %dma_wait3A_74 = arith.constant 0 : i32
        %dma_wait3A_75 = arith.constant 0 : i32
        %dma_wait3A_76 = tpu.memref_slice %arg12[%dma_wait3A_74, %dma_wait3A_75] : memref<10240x128xf32, #tpu.memory_space<vmem_shared>> -> memref<10240x128xf32, #tpu.memory_space<vmem_shared>>
        tpu.wait_indirect_dma semaphore(%run_scoped3A : memref<!tpu.dma_semaphore, #tpu.memory_space<semaphore_mem>>) src(%arg11 : memref<128x128xf32, #tpu.memory_space<vmem>>) dst(%dma_wait3A_76 : memref<10240x128xf32, #tpu.memory_space<vmem_shared>>)
        tpu.yield
      }) : () -> ()
      %lt3A_60 = arith.constant 19 : i32
      %lt3A_61 = arith.cmpi slt, %scan3A_42, %lt3A_60 : i32
      %convert_element_type3A_62 = arith.extui %lt3A_61 : i1 to i32
      %cond3A_63 = arith.constant 0 : i32
      %cond3A_64 = arith.cmpi ne, %convert_element_type3A_62, %cond3A_63 : i32
      scf.if %cond3A_64 {
        %add3A_65 = arith.constant 3 : i32
        %add3A_66 = arith.addi %mul3A_44, %add3A_65 : i32
        %dma_start3A_67 = arith.constant 0 : i32
        %dma_start3A_68 = tpu.memref_slice %arg8[%add3A_66, %dma_start3A_67] : memref<40x128xi32, #tpu.memory_space<vmem>> -> memref<1x128xi32, #tpu.memory_space<vmem>>
        %dma_start3A_69 = tpu.memref_squeeze %dma_start3A_68 : memref<1x128xi32, #tpu.memory_space<vmem>> -> memref<128xi32, #tpu.memory_space<vmem>>
        %dma_start3A_70 = arith.constant 0 : i32
        %dma_start3A_71 = arith.constant 0 : i32
        %dma_start3A_72 = tpu.memref_slice %arg2[%dma_start3A_70, %dma_start3A_71] : memref<10240x128xf32, #tpu.memory_space<hbm>> -> memref<10240x128xf32, #tpu.memory_space<hbm>>
        tpu.enqueue_indirect_dma source(%dma_start3A_72 : memref<10240x128xf32, #tpu.memory_space<hbm>>) target(%arg11 : memref<128x128xf32, #tpu.memory_space<vmem>>) offsets(%dma_start3A_69 : memref<128xi32, #tpu.memory_space<vmem>>) semaphore(%arg14 : memref<!tpu.dma_semaphore, #tpu.memory_space<semaphore_mem>>)
      } else {
      }
    }
    %scan3A_20 = arith.constant 20 : i32
    "tpu.region"() ({
      %run_scoped3A = tpu.sem_alloc : memref<!tpu.dma_semaphore, #tpu.memory_space<semaphore_mem>>
      %dma_start3A_42 = arith.constant 0 : i32
      %dma_start3A_43 = arith.constant 0 : i32
      %dma_start3A_44 = tpu.memref_slice %arg5[%add3A, %dma_start3A_42, %dma_start3A_43] : memref<32x40x128xi32, #tpu.memory_space<hbm>> -> memref<1x40x128xi32, #tpu.memory_space<hbm>>
      %dma_start3A_45 = tpu.memref_squeeze %dma_start3A_44 : memref<1x40x128xi32, #tpu.memory_space<hbm>> -> memref<40x128xi32, #tpu.memory_space<hbm>>
      %dma_start3A_46 = arith.constant 0 : i32
      %dma_start3A_47 = arith.constant 0 : i32
      %dma_start3A_48 = tpu.memref_slice %arg5[%add3A, %dma_start3A_46, %dma_start3A_47] : memref<32x40x128xi32, #tpu.memory_space<hbm>> -> memref<1x40x128xi32, #tpu.memory_space<hbm>>
      %dma_start3A_49 = tpu.memref_squeeze %dma_start3A_48 : memref<1x40x128xi32, #tpu.memory_space<hbm>> -> memref<40x128xi32, #tpu.memory_space<hbm>>
      tpu.enqueue_dma source(%dma_start3A_49 : memref<40x128xi32, #tpu.memory_space<hbm>>) target(%arg8 : memref<40x128xi32, #tpu.memory_space<vmem>>) target_semaphore(%run_scoped3A : memref<!tpu.dma_semaphore, #tpu.memory_space<semaphore_mem>>)
      %dma_wait3A = arith.constant 0 : i32
      %dma_wait3A_50 = arith.constant 0 : i32
      %dma_wait3A_51 = tpu.memref_slice %arg5[%add3A, %dma_wait3A, %dma_wait3A_50] : memref<32x40x128xi32, #tpu.memory_space<hbm>> -> memref<1x40x128xi32, #tpu.memory_space<hbm>>
      %dma_wait3A_52 = tpu.memref_squeeze %dma_wait3A_51 : memref<1x40x128xi32, #tpu.memory_space<hbm>> -> memref<40x128xi32, #tpu.memory_space<hbm>>
      %dma_wait3A_53 = arith.constant 0 : i32
      %dma_wait3A_54 = arith.constant 0 : i32
      %dma_wait3A_55 = tpu.memref_slice %arg5[%add3A, %dma_wait3A_53, %dma_wait3A_54] : memref<32x40x128xi32, #tpu.memory_space<hbm>> -> memref<1x40x128xi32, #tpu.memory_space<hbm>>
      %dma_wait3A_56 = tpu.memref_squeeze %dma_wait3A_55 : memref<1x40x128xi32, #tpu.memory_space<hbm>> -> memref<40x128xi32, #tpu.memory_space<hbm>>
      tpu.wait_dma2 semaphore(%run_scoped3A : memref<!tpu.dma_semaphore, #tpu.memory_space<semaphore_mem>>) src(%dma_wait3A_56 : memref<40x128xi32, #tpu.memory_space<hbm>>) dst(%arg8 : memref<40x128xi32, #tpu.memory_space<vmem>>)
      tpu.yield
    }) : () -> ()
    "tpu.region"() ({
      %run_scoped3A = tpu.sem_alloc : memref<!tpu.dma_semaphore, #tpu.memory_space<semaphore_mem>>
      %dma_start3A_42 = arith.constant 0 : i32
      %dma_start3A_43 = arith.constant 0 : i32
      %dma_start3A_44 = tpu.memref_slice %arg6[%add3A, %dma_start3A_42, %dma_start3A_43] : memref<32x40x128xi32, #tpu.memory_space<hbm>> -> memref<1x40x128xi32, #tpu.memory_space<hbm>>
      %dma_start3A_45 = tpu.memref_squeeze %dma_start3A_44 : memref<1x40x128xi32, #tpu.memory_space<hbm>> -> memref<40x128xi32, #tpu.memory_space<hbm>>
      %dma_start3A_46 = arith.constant 0 : i32
      %dma_start3A_47 = arith.constant 0 : i32
      %dma_start3A_48 = tpu.memref_slice %arg6[%add3A, %dma_start3A_46, %dma_start3A_47] : memref<32x40x128xi32, #tpu.memory_space<hbm>> -> memref<1x40x128xi32, #tpu.memory_space<hbm>>
      %dma_start3A_49 = tpu.memref_squeeze %dma_start3A_48 : memref<1x40x128xi32, #tpu.memory_space<hbm>> -> memref<40x128xi32, #tpu.memory_space<hbm>>
      tpu.enqueue_dma source(%dma_start3A_49 : memref<40x128xi32, #tpu.memory_space<hbm>>) target(%arg9 : memref<40x128xi32, #tpu.memory_space<vmem>>) target_semaphore(%run_scoped3A : memref<!tpu.dma_semaphore, #tpu.memory_space<semaphore_mem>>)
      %dma_wait3A = arith.constant 0 : i32
      %dma_wait3A_50 = arith.constant 0 : i32
      %dma_wait3A_51 = tpu.memref_slice %arg6[%add3A, %dma_wait3A, %dma_wait3A_50] : memref<32x40x128xi32, #tpu.memory_space<hbm>> -> memref<1x40x128xi32, #tpu.memory_space<hbm>>
      %dma_wait3A_52 = tpu.memref_squeeze %dma_wait3A_51 : memref<1x40x128xi32, #tpu.memory_space<hbm>> -> memref<40x128xi32, #tpu.memory_space<hbm>>
      %dma_wait3A_53 = arith.constant 0 : i32
      %dma_wait3A_54 = arith.constant 0 : i32
      %dma_wait3A_55 = tpu.memref_slice %arg6[%add3A, %dma_wait3A_53, %dma_wait3A_54] : memref<32x40x128xi32, #tpu.memory_space<hbm>> -> memref<1x40x128xi32, #tpu.memory_space<hbm>>
      %dma_wait3A_56 = tpu.memref_squeeze %dma_wait3A_55 : memref<1x40x128xi32, #tpu.memory_space<hbm>> -> memref<40x128xi32, #tpu.memory_space<hbm>>
      tpu.wait_dma2 semaphore(%run_scoped3A : memref<!tpu.dma_semaphore, #tpu.memory_space<semaphore_mem>>) src(%dma_wait3A_56 : memref<40x128xi32, #tpu.memory_space<hbm>>) dst(%arg9 : memref<40x128xi32, #tpu.memory_space<vmem>>)
      tpu.yield
    }) : () -> ()
    %dma_start3A_21 = arith.constant 0 : i32
    %dma_start3A_22 = arith.constant 0 : i32
    %dma_start3A_23 = tpu.memref_slice %arg8[%dma_start3A_21, %dma_start3A_22] : memref<40x128xi32, #tpu.memory_space<vmem>> -> memref<1x128xi32, #tpu.memory_space<vmem>>
    %dma_start3A_24 = tpu.memref_squeeze %dma_start3A_23 : memref<1x128xi32, #tpu.memory_space<vmem>> -> memref<128xi32, #tpu.memory_space<vmem>>
    %dma_start3A_25 = arith.constant 0 : i32
    %dma_start3A_26 = arith.constant 0 : i32
    %dma_start3A_27 = tpu.memref_slice %arg2[%dma_start3A_25, %dma_start3A_26] : memref<10240x128xf32, #tpu.memory_space<hbm>> -> memref<10240x128xf32, #tpu.memory_space<hbm>>
    tpu.enqueue_indirect_dma source(%dma_start3A_27 : memref<10240x128xf32, #tpu.memory_space<hbm>>) target(%arg10 : memref<128x128xf32, #tpu.memory_space<vmem>>) offsets(%dma_start3A_24 : memref<128xi32, #tpu.memory_space<vmem>>) semaphore(%arg13 : memref<!tpu.dma_semaphore, #tpu.memory_space<semaphore_mem>>)
    %dma_start3A_28 = arith.constant 1 : i32
    %dma_start3A_29 = arith.constant 0 : i32
    %dma_start3A_30 = tpu.memref_slice %arg8[%dma_start3A_28, %dma_start3A_29] : memref<40x128xi32, #tpu.memory_space<vmem>> -> memref<1x128xi32, #tpu.memory_space<vmem>>
    %dma_start3A_31 = tpu.memref_squeeze %dma_start3A_30 : memref<1x128xi32, #tpu.memory_space<vmem>> -> memref<128xi32, #tpu.memory_space<vmem>>
    %dma_start3A_32 = arith.constant 0 : i32
    %dma_start3A_33 = arith.constant 0 : i32
    %dma_start3A_34 = tpu.memref_slice %arg2[%dma_start3A_32, %dma_start3A_33] : memref<10240x128xf32, #tpu.memory_space<hbm>> -> memref<10240x128xf32, #tpu.memory_space<hbm>>
    tpu.enqueue_indirect_dma source(%dma_start3A_34 : memref<10240x128xf32, #tpu.memory_space<hbm>>) target(%arg11 : memref<128x128xf32, #tpu.memory_space<vmem>>) offsets(%dma_start3A_31 : memref<128xi32, #tpu.memory_space<vmem>>) semaphore(%arg14 : memref<!tpu.dma_semaphore, #tpu.memory_space<semaphore_mem>>)
    %scan3A_35 = arith.constant 0 : i32
    %scan3A_36 = arith.constant 0 : i32
    %scan3A_37 = arith.constant 20 : i32
    %scan3A_38 = arith.addi %scan3A_36, %scan3A_37 : i32
    %scan3A_39 = arith.constant 1 : i32
    scf.for %scan3A_42 = %scan3A_36 to %scan3A_38 step %scan3A_39  : i32 {
      %mul3A_43 = arith.constant 2 : i32
      %mul3A_44 = arith.muli %mul3A_43, %scan3A_42 : i32
      %add3A_45 = arith.constant 1 : i32
      %add3A_46 = arith.addi %mul3A_44, %add3A_45 : i32
      %dma_wait3A = arith.constant 0 : i32
      %dma_wait3A_47 = tpu.memref_slice %arg8[%mul3A_44, %dma_wait3A] : memref<40x128xi32, #tpu.memory_space<vmem>> -> memref<1x128xi32, #tpu.memory_space<vmem>>
      %dma_wait3A_48 = tpu.memref_squeeze %dma_wait3A_47 : memref<1x128xi32, #tpu.memory_space<vmem>> -> memref<128xi32, #tpu.memory_space<vmem>>
      %dma_wait3A_49 = arith.constant 0 : i32
      %dma_wait3A_50 = arith.constant 0 : i32
      %dma_wait3A_51 = tpu.memref_slice %arg2[%dma_wait3A_49, %dma_wait3A_50] : memref<10240x128xf32, #tpu.memory_space<hbm>> -> memref<10240x128xf32, #tpu.memory_space<hbm>>
      tpu.wait_indirect_dma semaphore(%arg13 : memref<!tpu.dma_semaphore, #tpu.memory_space<semaphore_mem>>) src(%dma_wait3A_51 : memref<10240x128xf32, #tpu.memory_space<hbm>>) dst(%arg10 : memref<128x128xf32, #tpu.memory_space<vmem>>)
      "tpu.region"() ({
        %run_scoped3A = tpu.sem_alloc : memref<!tpu.dma_semaphore, #tpu.memory_space<semaphore_mem>>
        %dma_start3A_65 = arith.constant 0 : i32
        %dma_start3A_66 = tpu.memref_slice %arg9[%mul3A_44, %dma_start3A_65] : memref<40x128xi32, #tpu.memory_space<vmem>> -> memref<1x128xi32, #tpu.memory_space<vmem>>
        %dma_start3A_67 = tpu.memref_squeeze %dma_start3A_66 : memref<1x128xi32, #tpu.memory_space<vmem>> -> memref<128xi32, #tpu.memory_space<vmem>>
        %dma_start3A_68 = arith.constant 0 : i32
        %dma_start3A_69 = arith.constant 0 : i32
        %dma_start3A_70 = tpu.memref_slice %arg12[%dma_start3A_68, %dma_start3A_69] : memref<10240x128xf32, #tpu.memory_space<vmem_shared>> -> memref<10240x128xf32, #tpu.memory_space<vmem_shared>>
        tpu.enqueue_indirect_dma source(%arg10 : memref<128x128xf32, #tpu.memory_space<vmem>>) target(%dma_start3A_70 : memref<10240x128xf32, #tpu.memory_space<vmem_shared>>) offsets(%dma_start3A_67 : memref<128xi32, #tpu.memory_space<vmem>>) semaphore(%run_scoped3A : memref<!tpu.dma_semaphore, #tpu.memory_space<semaphore_mem>>) {add = true}
        %dma_wait3A_71 = arith.constant 0 : i32
        %dma_wait3A_72 = tpu.memref_slice %arg9[%mul3A_44, %dma_wait3A_71] : memref<40x128xi32, #tpu.memory_space<vmem>> -> memref<1x128xi32, #tpu.memory_space<vmem>>
        %dma_wait3A_73 = tpu.memref_squeeze %dma_wait3A_72 : memref<1x128xi32, #tpu.memory_space<vmem>> -> memref<128xi32, #tpu.memory_space<vmem>>
        %dma_wait3A_74 = arith.constant 0 : i32
        %dma_wait3A_75 = arith.constant 0 : i32
        %dma_wait3A_76 = tpu.memref_slice %arg12[%dma_wait3A_74, %dma_wait3A_75] : memref<10240x128xf32, #tpu.memory_space<vmem_shared>> -> memref<10240x128xf32, #tpu.memory_space<vmem_shared>>
        tpu.wait_indirect_dma semaphore(%run_scoped3A : memref<!tpu.dma_semaphore, #tpu.memory_space<semaphore_mem>>) src(%arg10 : memref<128x128xf32, #tpu.memory_space<vmem>>) dst(%dma_wait3A_76 : memref<10240x128xf32, #tpu.memory_space<vmem_shared>>)
        tpu.yield
      }) : () -> ()
      %lt3A = arith.constant 19 : i32
      %lt3A_52 = arith.cmpi slt, %scan3A_42, %lt3A : i32
      %convert_element_type3A = arith.extui %lt3A_52 : i1 to i32
      %cond3A = arith.constant 0 : i32
      %cond3A_53 = arith.cmpi ne, %convert_element_type3A, %cond3A : i32
      scf.if %cond3A_53 {
        %add3A_65 = arith.constant 2 : i32
        %add3A_66 = arith.addi %mul3A_44, %add3A_65 : i32
        %dma_start3A_67 = arith.constant 0 : i32
        %dma_start3A_68 = tpu.memref_slice %arg8[%add3A_66, %dma_start3A_67] : memref<40x128xi32, #tpu.memory_space<vmem>> -> memref<1x128xi32, #tpu.memory_space<vmem>>
        %dma_start3A_69 = tpu.memref_squeeze %dma_start3A_68 : memref<1x128xi32, #tpu.memory_space<vmem>> -> memref<128xi32, #tpu.memory_space<vmem>>
        %dma_start3A_70 = arith.constant 0 : i32
        %dma_start3A_71 = arith.constant 0 : i32
        %dma_start3A_72 = tpu.memref_slice %arg2[%dma_start3A_70, %dma_start3A_71] : memref<10240x128xf32, #tpu.memory_space<hbm>> -> memref<10240x128xf32, #tpu.memory_space<hbm>>
        tpu.enqueue_indirect_dma source(%dma_start3A_72 : memref<10240x128xf32, #tpu.memory_space<hbm>>) target(%arg10 : memref<128x128xf32, #tpu.memory_space<vmem>>) offsets(%dma_start3A_69 : memref<128xi32, #tpu.memory_space<vmem>>) semaphore(%arg13 : memref<!tpu.dma_semaphore, #tpu.memory_space<semaphore_mem>>)
      } else {
      }
      %dma_wait3A_54 = arith.constant 0 : i32
      %dma_wait3A_55 = tpu.memref_slice %arg8[%add3A_46, %dma_wait3A_54] : memref<40x128xi32, #tpu.memory_space<vmem>> -> memref<1x128xi32, #tpu.memory_space<vmem>>
      %dma_wait3A_56 = tpu.memref_squeeze %dma_wait3A_55 : memref<1x128xi32, #tpu.memory_space<vmem>> -> memref<128xi32, #tpu.memory_space<vmem>>
      %dma_wait3A_57 = arith.constant 0 : i32
      %dma_wait3A_58 = arith.constant 0 : i32
      %dma_wait3A_59 = tpu.memref_slice %arg2[%dma_wait3A_57, %dma_wait3A_58] : memref<10240x128xf32, #tpu.memory_space<hbm>> -> memref<10240x128xf32, #tpu.memory_space<hbm>>
      tpu.wait_indirect_dma semaphore(%arg14 : memref<!tpu.dma_semaphore, #tpu.memory_space<semaphore_mem>>) src(%dma_wait3A_59 : memref<10240x128xf32, #tpu.memory_space<hbm>>) dst(%arg11 : memref<128x128xf32, #tpu.memory_space<vmem>>)
      "tpu.region"() ({
        %run_scoped3A = tpu.sem_alloc : memref<!tpu.dma_semaphore, #tpu.memory_space<semaphore_mem>>
        %dma_start3A_65 = arith.constant 0 : i32
        %dma_start3A_66 = tpu.memref_slice %arg9[%add3A_46, %dma_start3A_65] : memref<40x128xi32, #tpu.memory_space<vmem>> -> memref<1x128xi32, #tpu.memory_space<vmem>>
        %dma_start3A_67 = tpu.memref_squeeze %dma_start3A_66 : memref<1x128xi32, #tpu.memory_space<vmem>> -> memref<128xi32, #tpu.memory_space<vmem>>
        %dma_start3A_68 = arith.constant 0 : i32
        %dma_start3A_69 = arith.constant 0 : i32
        %dma_start3A_70 = tpu.memref_slice %arg12[%dma_start3A_68, %dma_start3A_69] : memref<10240x128xf32, #tpu.memory_space<vmem_shared>> -> memref<10240x128xf32, #tpu.memory_space<vmem_shared>>
        tpu.enqueue_indirect_dma source(%arg11 : memref<128x128xf32, #tpu.memory_space<vmem>>) target(%dma_start3A_70 : memref<10240x128xf32, #tpu.memory_space<vmem_shared>>) offsets(%dma_start3A_67 : memref<128xi32, #tpu.memory_space<vmem>>) semaphore(%run_scoped3A : memref<!tpu.dma_semaphore, #tpu.memory_space<semaphore_mem>>) {add = true}
        %dma_wait3A_71 = arith.constant 0 : i32
        %dma_wait3A_72 = tpu.memref_slice %arg9[%add3A_46, %dma_wait3A_71] : memref<40x128xi32, #tpu.memory_space<vmem>> -> memref<1x128xi32, #tpu.memory_space<vmem>>
        %dma_wait3A_73 = tpu.memref_squeeze %dma_wait3A_72 : memref<1x128xi32, #tpu.memory_space<vmem>> -> memref<128xi32, #tpu.memory_space<vmem>>
        %dma_wait3A_74 = arith.constant 0 : i32
        %dma_wait3A_75 = arith.constant 0 : i32
        %dma_wait3A_76 = tpu.memref_slice %arg12[%dma_wait3A_74, %dma_wait3A_75] : memref<10240x128xf32, #tpu.memory_space<vmem_shared>> -> memref<10240x128xf32, #tpu.memory_space<vmem_shared>>
        tpu.wait_indirect_dma semaphore(%run_scoped3A : memref<!tpu.dma_semaphore, #tpu.memory_space<semaphore_mem>>) src(%arg11 : memref<128x128xf32, #tpu.memory_space<vmem>>) dst(%dma_wait3A_76 : memref<10240x128xf32, #tpu.memory_space<vmem_shared>>)
        tpu.yield
      }) : () -> ()
      %lt3A_60 = arith.constant 19 : i32
      %lt3A_61 = arith.cmpi slt, %scan3A_42, %lt3A_60 : i32
      %convert_element_type3A_62 = arith.extui %lt3A_61 : i1 to i32
      %cond3A_63 = arith.constant 0 : i32
      %cond3A_64 = arith.cmpi ne, %convert_element_type3A_62, %cond3A_63 : i32
      scf.if %cond3A_64 {
        %add3A_65 = arith.constant 3 : i32
        %add3A_66 = arith.addi %mul3A_44, %add3A_65 : i32
        %dma_start3A_67 = arith.constant 0 : i32
        %dma_start3A_68 = tpu.memref_slice %arg8[%add3A_66, %dma_start3A_67] : memref<40x128xi32, #tpu.memory_space<vmem>> -> memref<1x128xi32, #tpu.memory_space<vmem>>
        %dma_start3A_69 = tpu.memref_squeeze %dma_start3A_68 : memref<1x128xi32, #tpu.memory_space<vmem>> -> memref<128xi32, #tpu.memory_space<vmem>>
        %dma_start3A_70 = arith.constant 0 : i32
        %dma_start3A_71 = arith.constant 0 : i32
        %dma_start3A_72 = tpu.memref_slice %arg2[%dma_start3A_70, %dma_start3A_71] : memref<10240x128xf32, #tpu.memory_space<hbm>> -> memref<10240x128xf32, #tpu.memory_space<hbm>>
        tpu.enqueue_indirect_dma source(%dma_start3A_72 : memref<10240x128xf32, #tpu.memory_space<hbm>>) target(%arg11 : memref<128x128xf32, #tpu.memory_space<vmem>>) offsets(%dma_start3A_69 : memref<128xi32, #tpu.memory_space<vmem>>) semaphore(%arg14 : memref<!tpu.dma_semaphore, #tpu.memory_space<semaphore_mem>>)
      } else {
      }
    }
    %scan3A_40 = arith.constant 20 : i32
    %barrier3A_41 = arith.constant 0 : index
    tpu.barrier barrier_id(%barrier3A_41)
    "tpu.region"() ({
      %run_scoped3A = tpu.sem_alloc : memref<!tpu.dma_semaphore, #tpu.memory_space<semaphore_mem>>
      %dma_start3A_42 = arith.constant 0 : i32
      %dma_start3A_43 = tpu.memref_slice %arg7[%arg0, %mul3A_2, %dma_start3A_42] : memref<2x10240x128xf32, #tpu.memory_space<hbm>> -> memref<1x640x128xf32, #tpu.memory_space<hbm>>
      %dma_start3A_44 = tpu.memref_squeeze %dma_start3A_43 : memref<1x640x128xf32, #tpu.memory_space<hbm>> -> memref<640x128xf32, #tpu.memory_space<hbm>>
      %dma_start3A_45 = arith.constant 0 : i32
      %dma_start3A_46 = tpu.memref_slice %arg12[%mul3A_2, %dma_start3A_45] : memref<10240x128xf32, #tpu.memory_space<vmem_shared>> -> memref<640x128xf32, #tpu.memory_space<vmem_shared>>
      tpu.enqueue_dma source(%dma_start3A_46 : memref<640x128xf32, #tpu.memory_space<vmem_shared>>) target(%dma_start3A_44 : memref<640x128xf32, #tpu.memory_space<hbm>>) target_semaphore(%run_scoped3A : memref<!tpu.dma_semaphore, #tpu.memory_space<semaphore_mem>>)
      %dma_wait3A = arith.constant 0 : i32
      %dma_wait3A_47 = tpu.memref_slice %arg7[%arg0, %mul3A_2, %dma_wait3A] : memref<2x10240x128xf32, #tpu.memory_space<hbm>> -> memref<1x640x128xf32, #tpu.memory_space<hbm>>
      %dma_wait3A_48 = tpu.memref_squeeze %dma_wait3A_47 : memref<1x640x128xf32, #tpu.memory_space<hbm>> -> memref<640x128xf32, #tpu.memory_space<hbm>>
      %dma_wait3A_49 = arith.constant 0 : i32
      %dma_wait3A_50 = tpu.memref_slice %arg12[%mul3A_2, %dma_wait3A_49] : memref<10240x128xf32, #tpu.memory_space<vmem_shared>> -> memref<640x128xf32, #tpu.memory_space<vmem_shared>>
      tpu.wait_dma2 semaphore(%run_scoped3A : memref<!tpu.dma_semaphore, #tpu.memory_space<semaphore_mem>>) src(%dma_wait3A_50 : memref<640x128xf32, #tpu.memory_space<vmem_shared>>) dst(%dma_wait3A_48 : memref<640x128xf32, #tpu.memory_space<hbm>>)
      tpu.yield
    }) : () -> ()
    return
  }
}

module attributes {stable_mosaic.version = 14 : i64} {
  func.func @_prep_body(%arg0: i32, %arg1: memref<2x512x16xf32, #tpu.memory_space<vmem>>, %arg2: memref<512x128xf32, #tpu.memory_space<vmem>>, %arg3: memref<512x128xf32, #tpu.memory_space<vmem>>) attributes {dimension_semantics = [#tpu.dimension_semantics<arbitrary>], iteration_bounds = array<i64: 20>, scalar_prefetch = 0 : i64, scratch_operands = 0 : i64, tpu.core_type = #tpu.core_type<tc>, window_params = [{transform_indices = @transform_0, window_bounds = array<i64: 2, 512, 16>}, {transform_indices = @transform_1, window_bounds = array<i64: 512, 128>}, {transform_indices = @transform_2, window_bounds = array<i64: 512, 128>}]} {
    %get3A = arith.constant 0 : index
    %get3A_0 = arith.constant 0 : index
    %get3A_1 = vector.load %arg2[%get3A, %get3A_0] : memref<512x128xf32, #tpu.memory_space<vmem>>, vector<512x128xf32>
    %get3A_2 = arith.constant 0 : index
    %get3A_3 = arith.constant 0 : index
    %get3A_4 = arith.constant 0 : index
    %get3A_5 = vector.load %arg1[%get3A_2, %get3A_3, %get3A_4] : memref<2x512x16xf32, #tpu.memory_space<vmem>>, vector<1x512x1xf32>
    %get3A_6 = vector.shape_cast %get3A_5 : vector<1x512x1xf32> to vector<512x1xf32>
    %get3A_7 = arith.constant 1 : index
    %get3A_8 = arith.constant 0 : index
    %get3A_9 = arith.constant 0 : index
    %get3A_10 = vector.load %arg1[%get3A_7, %get3A_8, %get3A_9] : memref<2x512x16xf32, #tpu.memory_space<vmem>>, vector<1x512x1xf32>
    %get3A_11 = vector.shape_cast %get3A_10 : vector<1x512x1xf32> to vector<512x1xf32>
    %add3A = arith.addf %get3A_6, %get3A_11 : vector<512x1xf32>
    %add3A_12 = arith.constant 1.000000e+00 : f32
    %add3A_13 = vector.broadcast %add3A_12 : f32 to vector<512x1xf32>
    %add3A_14 = arith.addf %add3A, %add3A_13 : vector<512x1xf32>
    %rsqrt3A = math.rsqrt %add3A_14 : vector<512x1xf32>
    %mul3A = vector.broadcast %rsqrt3A : vector<512x1xf32> to vector<512x128xf32>
    %mul3A_15 = arith.mulf %get3A_1, %mul3A : vector<512x128xf32>
    %swap3A = arith.constant 0 : index
    %swap3A_16 = arith.constant 0 : index
    %swap3A_17 = vector.load %arg3[%swap3A, %swap3A_16] : memref<512x128xf32, #tpu.memory_space<vmem>>, vector<512x128xf32>
    tpu.vector_store %arg3[%swap3A, %swap3A_16], %mul3A_15 {strides = array<i32>} : memref<512x128xf32, #tpu.memory_space<vmem>>, vector<512x128xf32>,
    return
  }
  func.func @transform_0(%arg0: i32) -> (i32, i32, i32) {
    %c0_i32 = arith.constant 0 : i32
    %c0_i32_0 = arith.constant 0 : i32
    %c0_i32_1 = arith.constant 0 : i32
    return %c0_i32, %arg0, %c0_i32_0 : i32, i32, i32
  }
  func.func @transform_1(%arg0: i32) -> (i32, i32) {
    %c0_i32 = arith.constant 0 : i32
    %c0_i32_0 = arith.constant 0 : i32
    return %arg0, %c0_i32 : i32, i32
  }
  func.func @transform_2(%arg0: i32) -> (i32, i32) {
    %c0_i32 = arith.constant 0 : i32
    %c0_i32_0 = arith.constant 0 : i32
    return %arg0, %c0_i32 : i32, i32
  }
}

module attributes {stable_mosaic.version = 14 : i64} {
  func.func @_mid_body(%arg0: i32, %arg1: memref<2x512x16xf32, #tpu.memory_space<vmem>>, %arg2: memref<2x512x128xf32, #tpu.memory_space<vmem>>, %arg3: memref<512x128xf32, #tpu.memory_space<vmem>>, %arg4: memref<512x128xf32, #tpu.memory_space<vmem>>) attributes {dimension_semantics = [#tpu.dimension_semantics<arbitrary>], iteration_bounds = array<i64: 20>, scalar_prefetch = 0 : i64, scratch_operands = 0 : i64, tpu.core_type = #tpu.core_type<tc>, window_params = [{transform_indices = @transform_0, window_bounds = array<i64: 2, 512, 16>}, {transform_indices = @transform_1, window_bounds = array<i64: 2, 512, 128>}, {transform_indices = @transform_2, window_bounds = array<i64: 512, 128>}, {transform_indices = @transform_3, window_bounds = array<i64: 512, 128>}]} {
    %get3A = arith.constant 0 : index
    %get3A_0 = arith.constant 0 : index
    %get3A_1 = arith.constant 0 : index
    %get3A_2 = vector.load %arg2[%get3A, %get3A_0, %get3A_1] : memref<2x512x128xf32, #tpu.memory_space<vmem>>, vector<1x512x128xf32>
    %get3A_3 = vector.shape_cast %get3A_2 : vector<1x512x128xf32> to vector<512x128xf32>
    %get3A_4 = arith.constant 1 : index
    %get3A_5 = arith.constant 0 : index
    %get3A_6 = arith.constant 0 : index
    %get3A_7 = vector.load %arg2[%get3A_4, %get3A_5, %get3A_6] : memref<2x512x128xf32, #tpu.memory_space<vmem>>, vector<1x512x128xf32>
    %get3A_8 = vector.shape_cast %get3A_7 : vector<1x512x128xf32> to vector<512x128xf32>
    %add3A = arith.addf %get3A_3, %get3A_8 : vector<512x128xf32>
    %get3A_9 = arith.constant 0 : index
    %get3A_10 = arith.constant 0 : index
    %get3A_11 = vector.load %arg3[%get3A_9, %get3A_10] : memref<512x128xf32, #tpu.memory_space<vmem>>, vector<512x128xf32>
    %sub3A = arith.subf %add3A, %get3A_11 : vector<512x128xf32>
    %get3A_12 = arith.constant 0 : index
    %get3A_13 = arith.constant 0 : index
    %get3A_14 = arith.constant 0 : index
    %get3A_15 = vector.load %arg1[%get3A_12, %get3A_13, %get3A_14] : memref<2x512x16xf32, #tpu.memory_space<vmem>>, vector<1x512x1xf32>
    %get3A_16 = vector.shape_cast %get3A_15 : vector<1x512x1xf32> to vector<512x1xf32>
    %get3A_17 = arith.constant 1 : index
    %get3A_18 = arith.constant 0 : index
    %get3A_19 = arith.constant 0 : index
    %get3A_20 = vector.load %arg1[%get3A_17, %get3A_18, %get3A_19] : memref<2x512x16xf32, #tpu.memory_space<vmem>>, vector<1x512x1xf32>
    %get3A_21 = vector.shape_cast %get3A_20 : vector<1x512x1xf32> to vector<512x1xf32>
    %add3A_22 = arith.addf %get3A_16, %get3A_21 : vector<512x1xf32>
    %add3A_23 = arith.constant 1.000000e+00 : f32
    %add3A_24 = vector.broadcast %add3A_23 : f32 to vector<512x1xf32>
    %add3A_25 = arith.addf %add3A_22, %add3A_24 : vector<512x1xf32>
    %div3A = vector.broadcast %add3A_25 : vector<512x1xf32> to vector<512x128xf32>
    %div3A_26 = arith.divf %sub3A, %div3A : vector<512x128xf32>
    %swap3A = arith.constant 0 : index
    %swap3A_27 = arith.constant 0 : index
    %swap3A_28 = vector.load %arg4[%swap3A, %swap3A_27] : memref<512x128xf32, #tpu.memory_space<vmem>>, vector<512x128xf32>
    tpu.vector_store %arg4[%swap3A, %swap3A_27], %div3A_26 {strides = array<i32>} : memref<512x128xf32, #tpu.memory_space<vmem>>, vector<512x128xf32>,
    return
  }
  func.func @transform_0(%arg0: i32) -> (i32, i32, i32) {
    %c0_i32 = arith.constant 0 : i32
    %c0_i32_0 = arith.constant 0 : i32
    %c0_i32_1 = arith.constant 0 : i32
    return %c0_i32, %arg0, %c0_i32_0 : i32, i32, i32
  }
  func.func @transform_1(%arg0: i32) -> (i32, i32, i32) {
    %c0_i32 = arith.constant 0 : i32
    %c0_i32_0 = arith.constant 0 : i32
    %c0_i32_1 = arith.constant 0 : i32
    return %c0_i32, %arg0, %c0_i32_0 : i32, i32, i32
  }
  func.func @transform_2(%arg0: i32) -> (i32, i32) {
    %c0_i32 = arith.constant 0 : i32
    %c0_i32_0 = arith.constant 0 : i32
    return %arg0, %c0_i32 : i32, i32
  }
  func.func @transform_3(%arg0: i32) -> (i32, i32) {
    %c0_i32 = arith.constant 0 : i32
    %c0_i32_0 = arith.constant 0 : i32
    return %arg0, %c0_i32 : i32, i32
  }
}

module attributes {stable_mosaic.version = 14 : i64} {
  func.func @_final_body(%arg0: i32, %arg1: memref<2x512x16xf32, #tpu.memory_space<vmem>>, %arg2: memref<2x512x128xf32, #tpu.memory_space<vmem>>, %arg3: memref<512x128xf32, #tpu.memory_space<vmem>>, %arg4: memref<128x128xf32, #tpu.memory_space<vmem>>, %arg5: memref<1x128xf32, #tpu.memory_space<vmem>>, %arg6: memref<512x128xf32, #tpu.memory_space<vmem>>) attributes {dimension_semantics = [#tpu.dimension_semantics<arbitrary>], iteration_bounds = array<i64: 20>, scalar_prefetch = 0 : i64, scratch_operands = 0 : i64, tpu.core_type = #tpu.core_type<tc>, window_params = [{transform_indices = @transform_0, window_bounds = array<i64: 2, 512, 16>}, {transform_indices = @transform_1, window_bounds = array<i64: 2, 512, 128>}, {transform_indices = @transform_2, window_bounds = array<i64: 512, 128>}, {pipeline_mode = #tpu.pipeline_mode<synchronous>, transform_indices = @transform_3, window_bounds = array<i64: 128, 128>}, {pipeline_mode = #tpu.pipeline_mode<synchronous>, transform_indices = @transform_4, window_bounds = array<i64: 1, 128>}, {transform_indices = @transform_5, window_bounds = array<i64: 512, 128>}]} {
    %get3A = arith.constant 0 : index
    %get3A_0 = arith.constant 0 : index
    %get3A_1 = arith.constant 0 : index
    %get3A_2 = vector.load %arg2[%get3A, %get3A_0, %get3A_1] : memref<2x512x128xf32, #tpu.memory_space<vmem>>, vector<1x512x128xf32>
    %get3A_3 = vector.shape_cast %get3A_2 : vector<1x512x128xf32> to vector<512x128xf32>
    %get3A_4 = arith.constant 1 : index
    %get3A_5 = arith.constant 0 : index
    %get3A_6 = arith.constant 0 : index
    %get3A_7 = vector.load %arg2[%get3A_4, %get3A_5, %get3A_6] : memref<2x512x128xf32, #tpu.memory_space<vmem>>, vector<1x512x128xf32>
    %get3A_8 = vector.shape_cast %get3A_7 : vector<1x512x128xf32> to vector<512x128xf32>
    %add3A = arith.addf %get3A_3, %get3A_8 : vector<512x128xf32>
    %get3A_9 = arith.constant 0 : index
    %get3A_10 = arith.constant 0 : index
    %get3A_11 = vector.load %arg3[%get3A_9, %get3A_10] : memref<512x128xf32, #tpu.memory_space<vmem>>, vector<512x128xf32>
    %sub3A = arith.subf %add3A, %get3A_11 : vector<512x128xf32>
    %get3A_12 = arith.constant 0 : index
    %get3A_13 = arith.constant 0 : index
    %get3A_14 = arith.constant 0 : index
    %get3A_15 = vector.load %arg1[%get3A_12, %get3A_13, %get3A_14] : memref<2x512x16xf32, #tpu.memory_space<vmem>>, vector<1x512x1xf32>
    %get3A_16 = vector.shape_cast %get3A_15 : vector<1x512x1xf32> to vector<512x1xf32>
    %get3A_17 = arith.constant 1 : index
    %get3A_18 = arith.constant 0 : index
    %get3A_19 = arith.constant 0 : index
    %get3A_20 = vector.load %arg1[%get3A_17, %get3A_18, %get3A_19] : memref<2x512x16xf32, #tpu.memory_space<vmem>>, vector<1x512x1xf32>
    %get3A_21 = vector.shape_cast %get3A_20 : vector<1x512x1xf32> to vector<512x1xf32>
    %add3A_22 = arith.addf %get3A_16, %get3A_21 : vector<512x1xf32>
    %add3A_23 = arith.constant 1.000000e+00 : f32
    %add3A_24 = vector.broadcast %add3A_23 : f32 to vector<512x1xf32>
    %add3A_25 = arith.addf %add3A_22, %add3A_24 : vector<512x1xf32>
    %rsqrt3A = math.rsqrt %add3A_25 : vector<512x1xf32>
    %mul3A = vector.broadcast %rsqrt3A : vector<512x1xf32> to vector<512x128xf32>
    %mul3A_26 = arith.mulf %sub3A, %mul3A : vector<512x128xf32>
    %get3A_27 = arith.constant 0 : index
    %get3A_28 = arith.constant 0 : index
    %get3A_29 = vector.load %arg4[%get3A_27, %get3A_28] : memref<128x128xf32, #tpu.memory_space<vmem>>, vector<128x128xf32>
    %dot_general3A = arith.constant dense<0.000000e+00> : vector<512x128xf32>
    %dot_general3A_30 = tpu.matmul %mul3A_26, %get3A_29, %dot_general3A {dimension_numbers = #tpu.dot_dimension_numbers<[1], [1], [0], [0], [0, 0, 1, 0], [], []>, transpose_lhs_hint = false} : vector<512x128xf32>, vector<128x128xf32>, vector<512x128xf32> -> vector<512x128xf32>
    %get3A_31 = arith.constant 0 : index
    %get3A_32 = arith.constant 0 : index
    %get3A_33 = vector.load %arg5[%get3A_31, %get3A_32] : memref<1x128xf32, #tpu.memory_space<vmem>>, vector<1x128xf32>
    %add3A_34 = vector.broadcast %get3A_33 : vector<1x128xf32> to vector<512x128xf32>
    %add3A_35 = arith.addf %dot_general3A_30, %add3A_34 : vector<512x128xf32>
    %reduce_max3A = arith.constant dense<0xFF800000> : vector<512xf32>
    %reduce_max3A_36 = vector.multi_reduction <maximumf>, %add3A_35, %reduce_max3A [1] : vector<512x128xf32> to vector<512xf32>
    %broadcast_in_dim3A = vector.shape_cast %reduce_max3A_36 : vector<512xf32> to vector<512x1xf32>
    %sub3A_37 = vector.broadcast %broadcast_in_dim3A : vector<512x1xf32> to vector<512x128xf32>
    %sub3A_38 = arith.subf %add3A_35, %sub3A_37 : vector<512x128xf32>
    %exp3A = math.exp %sub3A_38 : vector<512x128xf32>
    %reduce_sum3A = arith.constant dense<0.000000e+00> : vector<512xf32>
    %reduce_sum3A_39 = vector.multi_reduction <add>, %exp3A, %reduce_sum3A [1] : vector<512x128xf32> to vector<512xf32>
    %broadcast_in_dim3A_40 = vector.shape_cast %reduce_sum3A_39 : vector<512xf32> to vector<512x1xf32>
    %log3A = math.log %broadcast_in_dim3A_40 : vector<512x1xf32>
    %add3A_41 = arith.addf %broadcast_in_dim3A, %log3A : vector<512x1xf32>
    %sub3A_42 = vector.broadcast %add3A_41 : vector<512x1xf32> to vector<512x128xf32>
    %sub3A_43 = arith.subf %add3A_35, %sub3A_42 : vector<512x128xf32>
    %swap3A = arith.constant 0 : index
    %swap3A_44 = arith.constant 0 : index
    %swap3A_45 = vector.load %arg6[%swap3A, %swap3A_44] : memref<512x128xf32, #tpu.memory_space<vmem>>, vector<512x128xf32>
    tpu.vector_store %arg6[%swap3A, %swap3A_44], %sub3A_43 {strides = array<i32>} : memref<512x128xf32, #tpu.memory_space<vmem>>, vector<512x128xf32>,
    return
  }
  func.func @transform_0(%arg0: i32) -> (i32, i32, i32) {
    %c0_i32 = arith.constant 0 : i32
    %c0_i32_0 = arith.constant 0 : i32
    %c0_i32_1 = arith.constant 0 : i32
    return %c0_i32, %arg0, %c0_i32_0 : i32, i32, i32
  }
  func.func @transform_1(%arg0: i32) -> (i32, i32, i32) {
    %c0_i32 = arith.constant 0 : i32
    %c0_i32_0 = arith.constant 0 : i32
    %c0_i32_1 = arith.constant 0 : i32
    return %c0_i32, %arg0, %c0_i32_0 : i32, i32, i32
  }
  func.func @transform_2(%arg0: i32) -> (i32, i32) {
    %c0_i32 = arith.constant 0 : i32
    %c0_i32_0 = arith.constant 0 : i32
    return %arg0, %c0_i32 : i32, i32
  }
  func.func @transform_3(%arg0: i32) -> (i32, i32) {
    %c0_i32 = arith.constant 0 : i32
    %c0_i32_0 = arith.constant 0 : i32
    %c0_i32_1 = arith.constant 0 : i32
    return %c0_i32, %c0_i32_0 : i32, i32
  }
  func.func @transform_4(%arg0: i32) -> (i32, i32) {
    %c0_i32 = arith.constant 0 : i32
    %c0_i32_0 = arith.constant 0 : i32
    %c0_i32_1 = arith.constant 0 : i32
    return %c0_i32, %c0_i32_0 : i32, i32
  }
  func.func @transform_5(%arg0: i32) -> (i32, i32) {
    %c0_i32 = arith.constant 0 : i32
    %c0_i32_0 = arith.constant 0 : i32
    return %arg0, %c0_i32 : i32, i32
  }
}

</mosaic_0001>

<sc_bundles>
// kernel: kernel.11.cloned.1.call-start
scs
__scs_entry_jumppad:
0x0: {  	(pc) =	sbr.rel $0x88, $3  }
0x1: {  	(tag) =	ssettag $0x0;
	lr =	simm.s32 $0x1  }
0x2: {  	[smem:$0x3F9D] =	sst lr;
	_ =	strace $0xD0000000  }
0x3: {  	_ = 	snop  }
0x4: {  	_ = 	snop  }
0x5: {  	_ = 	snop  }
0x6: {  	_ = 	snop  }
0x7: {  	_ = 	snop  }
__scs_overlays_trampoline_lowered:
0x8: {  	[smem:$0x3FAC] =	sst s0  }
0x9: {  	[smem:$0x3FAD] =	sst s1  }
0xa: {  	[smem:$0x3FAE] =	sst s2  }
0xb: {  	[smem:$0x3FAF] =	sst s3  }
0xc: {  	[smem:$0x3FB0] =	sst s4  }
0xd: {  	[smem:$0x3FB1] =	sst s5  }
0xe: {  	[smem:$0x3FB2] =	sst s6  }
0xf: {  	[smem:$0x3FB3] =	sst s7  }
0x10: {  	[smem:$0x3FB4] =	sst s8  }
0x11: {  	[smem:$0x3FB5] =	sst s9;
	s0 =	simm.s32 @!p0 $0x0  }
0x12: {  	s1 =	sld [smem:$0x3F9B];
	s0 =	simm.s32 @p0 $0x1  }
0x13: {  	[smem:$0x3FB6] =	sst s0;
	s0 =	simm.s32 @!p1 $0x0  }
0x14: {  	s2 =	sld [smem:$0x3F9A];
	s0 =	simm.s32 @p1 $0x1  }
0x15: {  	[smem:$0x3FB7] =	sst s0;
	s0 =	simm.s32 @!p2 $0x0  }
0x16: {  	s3 =	sld [smem:$0x3FDB];
	s0 =	simm.s32 @p2 $0x1  }
0x17: {  	s4 =	simm.s32 $0x1BF5;
	[smem:$0x3FB9] =	sst s0  }
0x18: {  	s0 =	sld [smem:$0x3F9C];
	_ =	swait.ge [sflag:s4], $0x0  }
0x19: {  	s7 =	sld [smem:$0x3F9D]  }
0x1a: {  	s8 =	sadd.s32 $0xFFFFE003, lr  }
0x1b: {  	s9 =	sadd.s32 $0xFFFFFEF7, lr;
	s5 =	simm.s32 $0xFFFFFFFF;
	p2 =	slt.u32 s8, $0xFFFFF086  }
0x1c: {  	p1 =	slt.u32 s9, $0xF7A;
	s5 =	simm.s32 @!p2 $0x0  }
0x1d: {  	s5 =	simm.s32 @p1 $0x1;
	p0 =	seq.s32 s7, s2  }
0x1e: {  	s7 =	smul.u32 @!p0 $0xF7A, s2;
	p2 =	seq.s32 @!p0 s5, $0x0  }
0x1f: {  	s9 =	smul.u32 $0xF7A, s1;
	s8 =	simm.s32 @!p0 $0x1BF5;
	p2 =	por !p2, p0  }
0x20: {  	[sflag:s8] =	ssyncset.s32 @!p0 $0xFFFFF086;
	s6 =	sadd.s32 @!p0 s3, s7;
	s7 =	simm.s32 @!p0 $0x108  }
0x21: {  	s3 =	sadd.s32 s3, s9;
	s6 =	sadd.s32 @!p0 $0x88, s6;
	s7 =	simm.s32 @p2 $0x1082  }
0x22: {  	[simem:s7], [sflag:s8] =	dma.local @!p0 [hbm:s6], $0xF7A  }
0x23: {  	s9 =	sor.u32 $0xD0000000, s2;
	s6 =	simm.s32 $0x108;
	_ =	swait.ge @!p0 [sflag:s8], $0x0  }
0x24: {  	s3 =	sadd.s32 $0x88, s3;
	s6 =	simm.s32 @!p1 $0x1082;
	[sflag:s4] =	ssyncset.s32 $0xFFFFF086  }
0x25: {  	[simem:s6], [sflag:s4] =	dma.local [hbm:s3], $0xF7A  }
0x26: {  	[smem:$0x3F9D] =	sst s1;
	(tag) =	ssettag s2;
	_ =	strace s9  }
0x27: {  	s1 =	sld [smem:$0x3FAD]  }
0x28: {  	s2 =	sld [smem:$0x3FAE]  }
0x29: {  	s4 =	sld [smem:$0x3FB0]  }
0x2a: {  	p0 =	seq.s32 s5, $0x0;
	s5 =	sld [smem:$0x3FB1]  }
0x2b: {  	s6 =	sld [smem:$0x3FB2]  }
0x2c: {  	s7 =	sld [smem:$0x3FB3]  }
0x2d: {  	s3 =	simm.s32 $0x108;
	s8 =	sld [smem:$0x3FB4]  }
0x2e: {  	s3 =	simm.s32 @!p0 $0x1082;
	s9 =	sld [smem:$0x3FB5]  }
0x2f: {  	lr =	sadd.s32 s0, s3;
	s0 =	sld [smem:$0x3FAC]  }
0x30: {  	s3 =	sld [smem:$0x3FAF]  }
0x31: {  	[smem:$0x3FB8] =	sst s10  }
0x32: {  	s10 =	sld [smem:$0x3FB6];
	_ =	sdelay $0x3  }
0x33: {  	p0 =	seq.s32 s10, $0x1;
	s10 =	sld [smem:$0x3FB8];
	_ =	sdelay $0x3  }
0x34: {  	[smem:$0x3FB8] =	sst s10  }
0x35: {  	s10 =	sld [smem:$0x3FB7];
	_ =	sdelay $0x3  }
0x36: {  	p1 =	seq.s32 s10, $0x1;
	s10 =	sld [smem:$0x3FB8];
	_ =	sdelay $0x3  }
0x37: {  	[smem:$0x3FB8] =	sst s10  }
0x38: {  	s10 =	sld [smem:$0x3FB9]  }
0x39: {  	_ = 	snop;
	(pc) =	sbr.ind lr, $3  }
0x3a: {  	_ = 	snop  }
0x3b: {  	_ = 	snop  }
0x3c: {  	p2 =	seq.s32 s10, $0x1;
	s10 =	sld [smem:$0x3FB8]  }
0x3d: {  	_ =	shalt  }
0x3e: {  	_ =	shalt  }
0x3f: {  	_ =	shalt  }
0x40: {  	_ =	shalt  }
0x41: {  	_ =	shalt  }
0x42: {  	_ =	shalt  }
0x43: {  	_ =	shalt  }
0x44: {  	_ =	shalt  }
0x45: {  	_ =	shalt  }
0x46: {  	_ =	shalt  }
0x47: {  	_ =	shalt  }
0x48: {  	_ =	shalt  }
0x49: {  	_ =	shalt  }
0x4a: {  	_ =	shalt  }
0x4b: {  	_ =	shalt  }
0x4c: {  	_ =	shalt  }
0x4d: {  	_ =	shalt  }
0x4e: {  	_ =	shalt  }
0x4f: {  	_ =	shalt  }
0x50: {  	_ =	shalt  }
0x51: {  	_ =	shalt  }
0x52: {  	_ =	shalt  }
0x53: {  	_ =	shalt  }
0x54: {  	_ =	shalt  }
0x55: {  	_ =	shalt  }
0x56: {  	_ =	shalt  }
0x57: {  	_ =	shalt  }
0x58: {  	_ =	shalt  }
0x59: {  	_ =	shalt  }
0x5a: {  	_ =	shalt  }
0x5b: {  	_ =	shalt  }
0x5c: {  	_ =	shalt  }
0x5d: {  	_ =	shalt  }
0x5e: {  	_ =	shalt  }
0x5f: {  	_ =	shalt  }
0x60: {  	_ =	shalt  }
0x61: {  	_ =	shalt  }
0x62: {  	_ =	shalt  }
0x63: {  	_ =	shalt  }
0x64: {  	_ =	shalt  }
0x65: {  	_ =	shalt  }
0x66: {  	_ =	shalt  }
0x67: {  	_ =	shalt  }
0x68: {  	_ =	shalt  }
0x69: {  	_ =	shalt  }
0x6a: {  	_ =	shalt  }
0x6b: {  	_ =	shalt  }
0x6c: {  	_ =	shalt  }
0x6d: {  	_ =	shalt  }
0x6e: {  	_ =	shalt  }
0x6f: {  	_ =	shalt  }
0x70: {  	_ =	shalt  }
0x71: {  	_ =	shalt  }
0x72: {  	_ =	shalt  }
0x73: {  	_ =	shalt  }
0x74: {  	_ =	shalt  }
0x75: {  	_ =	shalt  }
0x76: {  	_ =	shalt  }
0x77: {  	_ =	shalt  }
0x78: {  	_ =	shalt  }
0x79: {  	_ =	shalt  }
0x7a: {  	_ =	shalt  }
0x7b: {  	_ =	shalt  }
0x7c: {  	_ =	shalt  }
0x7d: {  	_ =	shalt  }
0x7e: {  	_ =	shalt  }
0x7f: {  	_ =	shalt  }
0x80: {  	_ =	shalt  }
0x81: {  	_ =	shalt  }
0x82: {  	_ =	shalt  }
0x83: {  	_ =	shalt  }
0x84: {  	_ =	shalt  }
0x85: {  	_ =	shalt  }
0x86: {  	_ =	shalt  }
0x87: {  	_ =	shalt  }
.Lfunc_end0:
.L_simem_size_0:
called_computation.1_lowered:
.L_overlay_start_0:
0x88: {  	s2 =	sld [smem:$0x3FD9]  }
0x89: {  	s3 =	sld [smem:$0x3FFE];
	_ =	sdelay $0x1  }
0x8a: {  	s1 =	srdreg.scid  }
0x8b: {  	s0 =	sand.u32 $0x1, s1  }
0x8c: {  	s16 =	sshll.u32 s0, $0xA;
	s2 =	sadd.s32 s3, s2  }
0x8d: {  	s2 =	sadd.s32 s2, s16  }
0x8e: {  	[smem:$0x3FC4] =	sst s2  }
0x8f: {  	_ = 	snop  }
0x90: {  	(tm) =	ssettm $0x1  }
0x91: {  	s17 =	sld [smem:$0x3FFB];
	_ =	sdelay $0x3  }
0x92: {  	_ =	strace s17  }
0x93: {  	s2 =	sld [smem:$0x3FFC];
	_ =	sdelay $0x3  }
0x94: {  	_ =	strace s2  }
0x95: {  	s2 =	sld [smem:$0x3FFD];
	_ =	sdelay $0x3  }
0x96: {  	_ =	strace s2  }
0x97: {  	_ =	strace $0x8FFFFFFF  }
0x98: {  	s18 =	sld [smem:$0x3FDB];
	_ =	sdelay $0x1  }
0x99: {  	s19 =	simm.s32 $_scs_section_size  }
0x9a: {  	s4 =	simm.s32 $_size__tile_overlayer_lowered;
	s5 =	simm.s32 $_tile_overlayer_lowered  }
0x9b: {  	s22 =	simm.s32 $0x1BFF;
	s21 =	sshll.u32 s5, $0x1;
	s2 =	sadd.s32 s19, s18  }
0x9c: {  	s6 =	simm.s32 $0x0;
	s20 =	sshll.u32 s4, $0x1;
	s4 =	sadd.s32 s21, s2  }
0x9d: {  	[timem:s6], [sflag:s22] =	dma.local [hbm:s4], s20  }
0x9e: {  	_ =	swait.ge [sflag:s22], s20  }
0x9f: {  	s3 =	ssub.s32 $0x0, s20;
	[sflag:s22] =	ssyncset.done $0x0  }
0xa0: {  	[sflag:s22] =	ssyncadd.s32 s3;
	_ =	sdelay $0x1  }
0xa1: {  	s23 =	simm.s32 $0x1B8B  }
0xa2: {  	_ =	swait.ge [sflag:s23], $0x1  }
0xa3: {  	[sflag:s23] =	ssyncset.done $0x0  }
0xa4: {  	s25 =	simm.s32 $0x1B8E;
	s24 =	sld [smem:$0x3FFE];
	[sflag:s23] =	ssyncadd.s32 $0xFFFFFFFF  }
0xa5: {  	s26 =	simm.s32 $execute0_lowered;
	[smem:$0x3FD2] =	sst s25  }
0xa6: {  	s4 =	sshll.u32 s26, $0x1;
	_ =	strace $0x80000049;
	[dreg:$0x1] =	wrdreg $0xFFFFFFFF  }
0xa7: {  	s28 =	simm.s32 $_size_execute0_lowered;
	s2 =	sadd.s32 s2, s4;
	[dreg:$0x0] =	wrdreg $0x0  }
0xa8: {  	s4 =	sshll.u32 s28, $0x1;
	[dreg:$0x2] =	wrdreg s2  }
0xa9: {  	[dreg:$0x3] =	wrdreg s4  }
0xaa: {  	[dreg:$0x4] =	wrdreg $0xC0  }
0xab: {  	_ =	task [dreg:s6], $0x5FFFF  }
0xac: {  	[dreg:$0x1] =	wrdreg $0xFFFFFFFF  }
0xad: {  	[dreg:$0x0] =	wrdreg $0x60  }
0xae: {  	[dreg:$0x2] =	wrdreg s24  }
0xaf: {  	[dreg:$0x3] =	wrdreg $0xA8000  }
0xb0: {  	[dreg:$0x4] =	wrdreg $0x9  }
0xb1: {  	_ =	task.clear_ibuf [dreg:s6], $0x5FFFF;
	_ =	strace $0x90000049  }
0xb2: {  	s29 =	simm.s32 $0x9;
	_ =	strace $0x8000004B  }
0xb3: {  	_ =	swait.ge [sflag:s29], $0x1  }
0xb4: {  	[sflag:s29] =	ssyncadd.s32 $0xFFFFFFFF  }
0xb5: {  	_ =	strace $0x9000004B  }
0xb6: {  	_ =	sfence  }
0xb7: {  	s30 =	sld [smem:$0x0];
	_ =	sdelay $0x2  }
0xb8: {  	s31 =	sshll.u32 s1, $0xD;
	s1 =	sshrl.u32 s1, $0x2  }
0xb9: {  	s3 =	sand.u32 $0x4000, s31;
	s1 =	sadd.s32 s1, s30  }
0xba: {  	s0 =	sor.u32 s3, s0;
	s1 =	sshll.u32 s1, $0x11  }
0xbb: {  	s0 =	sor.u32 s1, s0  }
0xbc: {  	s0 =	sadd.s32 $0x8F2B, s0  }
0xbd: {  	[sflag:s0] =	ssyncadd.remote.s32 $0x1  }
0xbe: {  	_ =	sfence.sel $0xFFFF  }
0xbf: {  	[dreg:$0x0] =	wrdreg $0xFFFFFFFF;
	(pc) =	sbr.abs _section_cstart, $3  }
0xc0: {  	[dreg:$0x1] =	wrdreg $0xFFFFFFFF  }
0xc1: {  	_ =	task.clear_ibuf [dreg:s6], $0x2FFFF;
	_ =	strace $0x9FFFFFFF  }
0xc2: {  	(tm) =	ssettm $0x7FFFFFFF  }
0xc3: {  	_ =	shalt  }
tec
execute0_lowered:
.L_overlay_start_1:
0x0: {  	(tag) =	ssettag $0x1  }
0x1: {  	s5 =	rddreg [dreg:$0x0]  }
0x2: {  	s2 =	rddreg [dreg:$0x1]  }
0x3: {  	s0 =	rddreg [dreg:$0x2];
	s4 =	srdreg.scid  }
0x4: {  	s1 =	stileid.u32;
	s3 =	simm.s32 $0x0;
	s15 =	simm.s32 $0x1400  }
0x5: {  	s16 =	simm.s32 $0x80;
	s17 =	simm.s32 $0x2800;
	s18 =	simm.s32 $0x6800  }
0x6: {  	s19 =	simm.s32 $0x1;
	s20 =	simm.s32 $0x2;
	s21 =	simm.s32 $0x2700  }
0x7: {  	s22 =	simm.s32 $0x2780;
	s23 =	simm.s32 $0x0;
	s7 =	smul.u32 $0x14000, s1  }
0x8: {  	s6 =	sand.u32 $0x1, s4;
	[smem:$0x7FF] =	sst s3;
	s10 =	smul.u32 $0x50000, s1  }
0x9: {  	s31 =	sshll.u32 s1, $0x6;
	s4 =	sshll.u32 s6, $0x4;
	s8 =	smul.u32 $0x140000, s6  }
0xa: {  	_ =	strace $0x8000004A;
	s6 =	ssub.s32 $0x2, s6;
	s9 =	sor.u32 s1, s4  }
0xb: {  	s4 =	sadd.s32 $0x2600, s5;
	s28 =	sshrl.u32 s6, $0x1;
	s29 =	sshrl.u32 s10, $0x2  }
0xc: {  	s30 =	sshrl.u32 s7, $0x3;
	s9 =	smul.u32 $0x280, s9;
	s8 =	sadd.s32 s7, s8  }
0xd: {  	s13 =	ssub.s32 s6, s28;
	s14 =	sadd.s32 s29, s2;
	s8 =	sshrl.u32 s8, $0x3  }
0xe: {  	s6 =	sor.u32 $0x1C03, s31;
	s11 =	sadd.s32 s9, s5;
	s12 =	sadd.s32 s8, s5  }
0xf: {  	s5 =	sadd.s32 s4, s30;
	s7 =	sadd.s32 $0x84600, s11;
	s8 =	sadd.s32 $0x7F600, s11  }
0x10: {  	s9 =	sadd.s32 $0x89600, s11;
	s10 =	sadd.s32 $0x7A600, s11;
	s11 =	sadd.s32 $0x2A600, s12  }
0x11: {  	s12 =	smax.u32 s13, $0x1;
	s13 =	sshrl.u32 s14, $0x3;
	s14 =	simm.s32 $0x3  }
.LBB2_1:
0x12: {  	[spmem:s13], [sflag:s6] =	dma.local [hbm:s5], $0x2800  }
0x13: {  	_ =	swait.ge [sflag:s14], $0x2800  }
0x14: {  	[sflag:s14] =	ssyncset.done $0x0  }
0x15: {  	[sflag:s14] =	ssyncadd.s32 $0xFFFFD800  }
0x16: {  	[bflag:$0x0] =	sbarrier.arrive $0xFFFF  }
0x17: {  	[tilespmem:s3], [sflag:$0x3] =	stream.linear.gather [hbm4b:s7+s3], $0x1400, $0x38;
	[tilespmem:$0x1E800] =	vst v63  }
0x18: {  	_ =	swait.ge [sflag:s14], $0x1400  }
0x19: {  	[sflag:s14] =	ssyncset.done $0x0  }
0x1a: {  	[sflag:s14] =	ssyncadd.s32 $0xFFFFEC00  }
0x1b: {  	[tilespmem:s15], [sflag:$0x3] =	stream.linear.gather [hbm4b:s8+s3], $0x1400, $0x38;
	[tilespmem:$0x1E800] =	vst v63  }
0x1c: {  	_ =	swait.ge [sflag:s14], $0x1400  }
0x1d: {  	[sflag:s14] =	ssyncset.done $0x0  }
0x1e: {  	[sflag:s14] =	ssyncadd.s32 $0xFFFFEC00  }
0x1f: {  	[tilespmem:s17], [sflag:$0x1] =	stream.indirect.gather [hbm4b:s4+s16], $0x80, s3, s16, $0xb8;
	[tilespmem:$0x1E800] =	vst v63  }
0x20: {  	_ = 	snop  }
0x21: {  	[tilespmem:s18], [sflag:$0x2] =	stream.indirect.gather [hbm4b:s4+s16], $0x80, s16, s16, $0xb8;
	[tilespmem:$0x1E800] =	vst v63  }
0x22: {  	_ =	swait.ge [sflag:s19], $0x4000  }
0x23: {  	[sflag:s19] =	ssyncset.done $0x0  }
0x24: {  	s24 =	simm.s32 $0x1400;
	[sflag:s19] =	ssyncadd.s32 $0xFFFFC000  }
0x25: {  	[spmem:s2] =	stream.indirect.scatter.add.f32 [tilespmem:s17], [sflag:$0x3], $0x80, s24, s16, $0xb8;
	[tilespmem:$0x1E800] =	vst v63  }
0x26: {  	_ =	swait.ge [sflag:s14], $0x4000  }
0x27: {  	[sflag:s14] =	ssyncset.done $0x0  }
0x28: {  	s30 =	simm.s32 $0x100;
	[sflag:s14] =	ssyncadd.s32 $0xFFFFC000  }
0x29: {  	[tilespmem:s17], [sflag:$0x1] =	stream.indirect.gather [hbm4b:s4+s16], $0x80, s30, s16, $0xb8;
	[tilespmem:$0x1E800] =	vst v63  }
0x2a: {  	_ =	swait.ge [sflag:s20], $0x4000  }
0x2b: {  	[sflag:s20] =	ssyncset.done $0x0  }
0x2c: {  	s31 =	simm.s32 $0x1480;
	[sflag:s20] =	ssyncadd.s32 $0xFFFFC000  }
0x2d: {  	[spmem:s2] =	stream.indirect.scatter.add.f32 [tilespmem:s18], [sflag:$0x3], $0x80, s31, s16, $0xb8;
	[tilespmem:$0x1E800] =	vst v63  }
0x2e: {  	_ =	swait.ge [sflag:s14], $0x4000  }
0x2f: {  	[sflag:s14] =	ssyncset.done $0x0  }
0x30: {  	s25 =	simm.s32 $0x180;
	s24 =	simm.s32 $0x400;
	[sflag:s14] =	ssyncadd.s32 $0xFFFFC000  }
.LBB2_2:
0x31: {  	[tilespmem:s18], [sflag:$0x2] =	stream.indirect.gather [hbm4b:s4+s16], $0x80, s25, s16, $0xb8;
	[tilespmem:$0x1E800] =	vst v63  }
0x32: {  	s25 =	smov.u32 s24  }
0x33: {  	p0 =	sne.s32 s24, $0x4800;
	s24 =	sadd.s32 $0x400, s24;
	_ =	swait.ge [sflag:s19], $0x4000  }
0x34: {  	s25 =	sshra.s32 s25, $0x2;
	[sflag:s19] =	ssyncset.done $0x0  }
0x35: {  	s26 =	sadd.s32 $0x1400, s25;
	[sflag:s19] =	ssyncadd.s32 $0xFFFFC000  }
0x36: {  	[spmem:s2] =	stream.indirect.scatter.add.f32 [tilespmem:s17], [sflag:$0x3], $0x80, s26, s16, $0xb8;
	[tilespmem:$0x1E800] =	vst v63  }
0x37: {  	_ =	swait.ge [sflag:s14], $0x4000  }
0x38: {  	[sflag:s14] =	ssyncset.done $0x0  }
0x39: {  	s26 =	sadd.s32 $0x100, s25;
	[sflag:s14] =	ssyncadd.s32 $0xFFFFC000  }
0x3a: {  	[tilespmem:s17], [sflag:$0x1] =	stream.indirect.gather [hbm4b:s4+s16], $0x80, s26, s16, $0xb8;
	[tilespmem:$0x1E800] =	vst v63  }
0x3b: {  	_ =	swait.ge [sflag:s20], $0x4000  }
0x3c: {  	[sflag:s20] =	ssyncset.done $0x0  }
.Ltmp0:
0x3d: {  	s26 =	sadd.s32 $0x1480, s25;
	[sflag:s20] =	ssyncadd.s32 $0xFFFFC000;
	(pc) =	sbr.rel @p0 .LBB2_2-.Ltmp0, $4  }
0x3e: {  	[spmem:s2] =	stream.indirect.scatter.add.f32 [tilespmem:s18], [sflag:$0x3], $0x80, s26, s16, $0xb8;
	[tilespmem:$0x1E800] =	vst v63  }
0x3f: {  	_ =	swait.ge [sflag:s14], $0x4000  }
0x40: {  	[sflag:s14] =	ssyncset.done $0x0  }
0x41: {  	s25 =	sadd.s32 $0x180, s25;
	[sflag:s14] =	ssyncadd.s32 $0xFFFFC000  }
0x42: {  	[tilespmem:s18], [sflag:$0x2] =	stream.indirect.gather [hbm4b:s4+s16], $0x80, s25, s16, $0xb8;
	[tilespmem:$0x1E800] =	vst v63  }
0x43: {  	_ =	swait.ge [sflag:s19], $0x4000  }
0x44: {  	[sflag:s19] =	ssyncset.done $0x0  }
0x45: {  	[sflag:s19] =	ssyncadd.s32 $0xFFFFC000  }
0x46: {  	[spmem:s2] =	stream.indirect.scatter.add.f32 [tilespmem:s17], [sflag:$0x3], $0x80, s21, s16, $0xb8;
	[tilespmem:$0x1E800] =	vst v63  }
0x47: {  	_ =	swait.ge [sflag:s14], $0x4000  }
0x48: {  	[sflag:s14] =	ssyncset.done $0x0  }
0x49: {  	[sflag:s14] =	ssyncadd.s32 $0xFFFFC000  }
0x4a: {  	_ =	swait.ge [sflag:s20], $0x4000  }
0x4b: {  	[sflag:s20] =	ssyncset.done $0x0  }
0x4c: {  	[sflag:s20] =	ssyncadd.s32 $0xFFFFC000  }
0x4d: {  	[spmem:s2] =	stream.indirect.scatter.add.f32 [tilespmem:s18], [sflag:$0x3], $0x80, s22, s16, $0xb8;
	[tilespmem:$0x1E800] =	vst v63  }
0x4e: {  	_ =	swait.ge [sflag:s14], $0x4000  }
0x4f: {  	[sflag:s14] =	ssyncset.done $0x0  }
0x50: {  	s24 =	simm.s32 $0x0;
	[sflag:s14] =	ssyncadd.s32 $0xFFFFC000  }
0x51: {  	[tilespmem:s24], [sflag:$0x3] =	stream.linear.gather [hbm4b:s9+s24], $0x1400, $0x38;
	[tilespmem:$0x1E800] =	vst v63  }
0x52: {  	_ =	swait.ge [sflag:s14], $0x1400  }
0x53: {  	[sflag:s14] =	ssyncset.done $0x0  }
0x54: {  	[sflag:s14] =	ssyncadd.s32 $0xFFFFEC00  }
0x55: {  	[tilespmem:s15], [sflag:$0x3] =	stream.linear.gather [hbm4b:s10+s24], $0x1400, $0x38;
	[tilespmem:$0x1E800] =	vst v63  }
0x56: {  	_ =	swait.ge [sflag:s14], $0x1400  }
0x57: {  	[sflag:s14] =	ssyncset.done $0x0  }
0x58: {  	[sflag:s14] =	ssyncadd.s32 $0xFFFFEC00  }
0x59: {  	[tilespmem:s17], [sflag:$0x1] =	stream.indirect.gather [hbm4b:s4+s16], $0x80, s24, s16, $0xb8;
	[tilespmem:$0x1E800] =	vst v63  }
0x5a: {  	_ = 	snop  }
0x5b: {  	[tilespmem:s18], [sflag:$0x2] =	stream.indirect.gather [hbm4b:s4+s16], $0x80, s16, s16, $0xb8;
	[tilespmem:$0x1E800] =	vst v63  }
0x5c: {  	_ =	swait.ge [sflag:s19], $0x4000  }
0x5d: {  	[sflag:s19] =	ssyncset.done $0x0  }
0x5e: {  	s29 =	simm.s32 $0x1400;
	[sflag:s19] =	ssyncadd.s32 $0xFFFFC000  }
0x5f: {  	[spmem:s2] =	stream.indirect.scatter.add.f32 [tilespmem:s17], [sflag:$0x3], $0x80, s29, s16, $0xb8;
	[tilespmem:$0x1E800] =	vst v63  }
0x60: {  	_ =	swait.ge [sflag:s14], $0x4000  }
0x61: {  	[sflag:s14] =	ssyncset.done $0x0  }
0x62: {  	s30 =	simm.s32 $0x100;
	[sflag:s14] =	ssyncadd.s32 $0xFFFFC000  }
0x63: {  	[tilespmem:s17], [sflag:$0x1] =	stream.indirect.gather [hbm4b:s4+s16], $0x80, s30, s16, $0xb8;
	[tilespmem:$0x1E800] =	vst v63  }
0x64: {  	_ =	swait.ge [sflag:s20], $0x4000  }
0x65: {  	[sflag:s20] =	ssyncset.done $0x0  }
0x66: {  	s31 =	simm.s32 $0x1480;
	[sflag:s20] =	ssyncadd.s32 $0xFFFFC000  }
0x67: {  	[spmem:s2] =	stream.indirect.scatter.add.f32 [tilespmem:s18], [sflag:$0x3], $0x80, s31, s16, $0xb8;
	[tilespmem:$0x1E800] =	vst v63  }
0x68: {  	_ =	swait.ge [sflag:s14], $0x4000  }
0x69: {  	[sflag:s14] =	ssyncset.done $0x0  }
0x6a: {  	s25 =	simm.s32 $0x180;
	s24 =	simm.s32 $0x400;
	[sflag:s14] =	ssyncadd.s32 $0xFFFFC000  }
.LBB2_4:
0x6b: {  	[tilespmem:s18], [sflag:$0x2] =	stream.indirect.gather [hbm4b:s4+s16], $0x80, s25, s16, $0xb8;
	[tilespmem:$0x1E800] =	vst v63  }
0x6c: {  	s25 =	smov.u32 s24  }
0x6d: {  	p0 =	sne.s32 s24, $0x4800;
	s24 =	sadd.s32 $0x400, s24;
	_ =	swait.ge [sflag:s19], $0x4000  }
0x6e: {  	s25 =	sshra.s32 s25, $0x2;
	[sflag:s19] =	ssyncset.done $0x0  }
0x6f: {  	s26 =	sadd.s32 $0x1400, s25;
	[sflag:s19] =	ssyncadd.s32 $0xFFFFC000  }
0x70: {  	[spmem:s2] =	stream.indirect.scatter.add.f32 [tilespmem:s17], [sflag:$0x3], $0x80, s26, s16, $0xb8;
	[tilespmem:$0x1E800] =	vst v63  }
0x71: {  	_ =	swait.ge [sflag:s14], $0x4000  }
0x72: {  	[sflag:s14] =	ssyncset.done $0x0  }
0x73: {  	s26 =	sadd.s32 $0x100, s25;
	[sflag:s14] =	ssyncadd.s32 $0xFFFFC000  }
0x74: {  	[tilespmem:s17], [sflag:$0x1] =	stream.indirect.gather [hbm4b:s4+s16], $0x80, s26, s16, $0xb8;
	[tilespmem:$0x1E800] =	vst v63  }
0x75: {  	_ =	swait.ge [sflag:s20], $0x4000  }
0x76: {  	[sflag:s20] =	ssyncset.done $0x0  }
.Ltmp1:
0x77: {  	s26 =	sadd.s32 $0x1480, s25;
	[sflag:s20] =	ssyncadd.s32 $0xFFFFC000;
	(pc) =	sbr.rel @p0 .LBB2_4-.Ltmp1, $4  }
0x78: {  	[spmem:s2] =	stream.indirect.scatter.add.f32 [tilespmem:s18], [sflag:$0x3], $0x80, s26, s16, $0xb8;
	[tilespmem:$0x1E800] =	vst v63  }
0x79: {  	_ =	swait.ge [sflag:s14], $0x4000  }
0x7a: {  	[sflag:s14] =	ssyncset.done $0x0  }
0x7b: {  	s25 =	sadd.s32 $0x180, s25;
	[sflag:s14] =	ssyncadd.s32 $0xFFFFC000  }
0x7c: {  	[tilespmem:s18], [sflag:$0x2] =	stream.indirect.gather [hbm4b:s4+s16], $0x80, s25, s16, $0xb8;
	[tilespmem:$0x1E800] =	vst v63  }
0x7d: {  	_ =	swait.ge [sflag:s19], $0x4000  }
0x7e: {  	[sflag:s19] =	ssyncset.done $0x0  }
0x7f: {  	[sflag:s19] =	ssyncadd.s32 $0xFFFFC000  }
0x80: {  	[spmem:s2] =	stream.indirect.scatter.add.f32 [tilespmem:s17], [sflag:$0x3], $0x80, s21, s16, $0xb8;
	[tilespmem:$0x1E800] =	vst v63  }
0x81: {  	_ =	swait.ge [sflag:s14], $0x4000  }
0x82: {  	[sflag:s14] =	ssyncset.done $0x0  }
0x83: {  	[sflag:s14] =	ssyncadd.s32 $0xFFFFC000  }
0x84: {  	_ =	swait.ge [sflag:s20], $0x4000  }
0x85: {  	[sflag:s20] =	ssyncset.done $0x0  }
0x86: {  	[sflag:s20] =	ssyncadd.s32 $0xFFFFC000  }
0x87: {  	[spmem:s2] =	stream.indirect.scatter.add.f32 [tilespmem:s18], [sflag:$0x3], $0x80, s22, s16, $0xb8;
	[tilespmem:$0x1E800] =	vst v63  }
0x88: {  	_ =	swait.ge [sflag:s14], $0x4000  }
0x89: {  	s23 =	sadd.s32 $0x1, s23;
	[sflag:s14] =	ssyncset.done $0x0  }
0x8a: {  	p0 =	sne.s32 s23, s12;
	[sflag:s14] =	ssyncadd.s32 $0xFFFFC000  }
.Ltmp2:
0x8b: {  	[bflag:$0x0] =	sbarrier.arrive $0xFFFF;
	(pc) =	sbr.rel @p0 .LBB2_1-.Ltmp2, $4  }
0x8c: {  	[hbm:s11], [sflag:s6] =	dma.local [spmem:s13], $0x2800  }
0x8d: {  	_ =	swait.ge [sflag:s14], $0x2800  }
0x8e: {  	[sflag:s14] =	ssyncset.done $0x0  }
0x8f: {  	[sflag:s14] =	ssyncadd.s32 $0xFFFFD800  }
0x90: {  	_ =	sfence.sel $0x180000  }
0x91: {  	[bflag:$0x0] =	sbarrier.arrive $0xFFFF  }
0x92: {  	p0 =	sne.s32 s1, $0x0;
	_ =	strace $0x9000004A  }
0x93: {  	s0 =	sadd.s32 @!p0 $0x100000, s0;
	[bflag:$0x2] =	sbarrier.arrive $0xFFFF  }
0x94: {  	[sflag:s0] =	ssyncadd.tile.s32 @!p0 $0x1;
	_ =	shalt  }
.Lfunc_end2:
_tile_overlayer_lowered:
.L_overlay_start_2:
0x95: {  	(tag) =	ssettag $0x2  }
0x96: {  	s0 =	rddreg [dreg:$0x0];
	s2 =	stileid.u32  }
0x97: {  	s1 =	rddreg [dreg:$0x1];
	p0 =	sne.s32 s2, $0x0  }
0x98: {  	s3 =	rddreg [dreg:$0x2];
	[bflag:$0x3] =	sbarrier.arrive $0xFFFF;
	s2 =	simm.s32 @!p0 $0x1C03  }
0x99: {  	[timem:s3], [sflag:s2] =	dma.local @!p0 [hbm:s0], s1  }
0x9a: {  	s0 =	simm.s32 @!p0 $0x3  }
0x9b: {  	_ =	swait.ge @!p0 [sflag:s0], s1  }
0x9c: {  	s1 =	ssub.s32 @!p0 $0x0, s1;
	[sflag:s0] =	ssyncset.done @!p0 $0x0  }
0x9d: {  	[sflag:s0] =	ssyncadd.s32 @!p0 s1  }
0x9e: {  	[bflag:$0x3] =	sbarrier.arrive $0xFFFF  }
0x9f: {  	_ =	shalt  }

// kernel: kernel.14.cloned.1.call-start
scs
__scs_entry_jumppad:
0x0: {  	(pc) =	sbr.rel $0x88, $3  }
0x1: {  	(tag) =	ssettag $0x0;
	lr =	simm.s32 $0x1  }
0x2: {  	[smem:$0x3F9D] =	sst lr;
	_ =	strace $0xD0000000  }
0x3: {  	_ = 	snop  }
0x4: {  	_ = 	snop  }
0x5: {  	_ = 	snop  }
0x6: {  	_ = 	snop  }
0x7: {  	_ = 	snop  }
__scs_overlays_trampoline_lowered:
0x8: {  	[smem:$0x3FAC] =	sst s0  }
0x9: {  	[smem:$0x3FAD] =	sst s1  }
0xa: {  	[smem:$0x3FAE] =	sst s2  }
0xb: {  	[smem:$0x3FAF] =	sst s3  }
0xc: {  	[smem:$0x3FB0] =	sst s4  }
0xd: {  	[smem:$0x3FB1] =	sst s5  }
0xe: {  	[smem:$0x3FB2] =	sst s6  }
0xf: {  	[smem:$0x3FB3] =	sst s7  }
0x10: {  	[smem:$0x3FB4] =	sst s8  }
0x11: {  	[smem:$0x3FB5] =	sst s9;
	s0 =	simm.s32 @!p0 $0x0  }
0x12: {  	s1 =	sld [smem:$0x3F9B];
	s0 =	simm.s32 @p0 $0x1  }
0x13: {  	[smem:$0x3FB6] =	sst s0;
	s0 =	simm.s32 @!p1 $0x0  }
0x14: {  	s2 =	sld [smem:$0x3F9A];
	s0 =	simm.s32 @p1 $0x1  }
0x15: {  	[smem:$0x3FB7] =	sst s0;
	s0 =	simm.s32 @!p2 $0x0  }
0x16: {  	s3 =	sld [smem:$0x3FDB];
	s0 =	simm.s32 @p2 $0x1  }
0x17: {  	s4 =	simm.s32 $0x1BF5;
	[smem:$0x3FB9] =	sst s0  }
0x18: {  	s0 =	sld [smem:$0x3F9C];
	_ =	swait.ge [sflag:s4], $0x0  }
0x19: {  	s7 =	sld [smem:$0x3F9D]  }
0x1a: {  	s8 =	sadd.s32 $0xFFFFE003, lr  }
0x1b: {  	s9 =	sadd.s32 $0xFFFFFEF7, lr;
	s5 =	simm.s32 $0xFFFFFFFF;
	p2 =	slt.u32 s8, $0xFFFFF086  }
0x1c: {  	p1 =	slt.u32 s9, $0xF7A;
	s5 =	simm.s32 @!p2 $0x0  }
0x1d: {  	s5 =	simm.s32 @p1 $0x1;
	p0 =	seq.s32 s7, s2  }
0x1e: {  	s7 =	smul.u32 @!p0 $0xF7A, s2;
	p2 =	seq.s32 @!p0 s5, $0x0  }
0x1f: {  	s9 =	smul.u32 $0xF7A, s1;
	s8 =	simm.s32 @!p0 $0x1BF5;
	p2 =	por !p2, p0  }
0x20: {  	[sflag:s8] =	ssyncset.s32 @!p0 $0xFFFFF086;
	s6 =	sadd.s32 @!p0 s3, s7;
	s7 =	simm.s32 @!p0 $0x108  }
0x21: {  	s3 =	sadd.s32 s3, s9;
	s6 =	sadd.s32 @!p0 $0x88, s6;
	s7 =	simm.s32 @p2 $0x1082  }
0x22: {  	[simem:s7], [sflag:s8] =	dma.local @!p0 [hbm:s6], $0xF7A  }
0x23: {  	s9 =	sor.u32 $0xD0000000, s2;
	s6 =	simm.s32 $0x108;
	_ =	swait.ge @!p0 [sflag:s8], $0x0  }
0x24: {  	s3 =	sadd.s32 $0x88, s3;
	s6 =	simm.s32 @!p1 $0x1082;
	[sflag:s4] =	ssyncset.s32 $0xFFFFF086  }
0x25: {  	[simem:s6], [sflag:s4] =	dma.local [hbm:s3], $0xF7A  }
0x26: {  	[smem:$0x3F9D] =	sst s1;
	(tag) =	ssettag s2;
	_ =	strace s9  }
0x27: {  	s1 =	sld [smem:$0x3FAD]  }
0x28: {  	s2 =	sld [smem:$0x3FAE]  }
0x29: {  	s4 =	sld [smem:$0x3FB0]  }
0x2a: {  	p0 =	seq.s32 s5, $0x0;
	s5 =	sld [smem:$0x3FB1]  }
0x2b: {  	s6 =	sld [smem:$0x3FB2]  }
0x2c: {  	s7 =	sld [smem:$0x3FB3]  }
0x2d: {  	s3 =	simm.s32 $0x108;
	s8 =	sld [smem:$0x3FB4]  }
0x2e: {  	s3 =	simm.s32 @!p0 $0x1082;
	s9 =	sld [smem:$0x3FB5]  }
0x2f: {  	lr =	sadd.s32 s0, s3;
	s0 =	sld [smem:$0x3FAC]  }
0x30: {  	s3 =	sld [smem:$0x3FAF]  }
0x31: {  	[smem:$0x3FB8] =	sst s10  }
0x32: {  	s10 =	sld [smem:$0x3FB6];
	_ =	sdelay $0x3  }
0x33: {  	p0 =	seq.s32 s10, $0x1;
	s10 =	sld [smem:$0x3FB8];
	_ =	sdelay $0x3  }
0x34: {  	[smem:$0x3FB8] =	sst s10  }
0x35: {  	s10 =	sld [smem:$0x3FB7];
	_ =	sdelay $0x3  }
0x36: {  	p1 =	seq.s32 s10, $0x1;
	s10 =	sld [smem:$0x3FB8];
	_ =	sdelay $0x3  }
0x37: {  	[smem:$0x3FB8] =	sst s10  }
0x38: {  	s10 =	sld [smem:$0x3FB9]  }
0x39: {  	_ = 	snop;
	(pc) =	sbr.ind lr, $3  }
0x3a: {  	_ = 	snop  }
0x3b: {  	_ = 	snop  }
0x3c: {  	p2 =	seq.s32 s10, $0x1;
	s10 =	sld [smem:$0x3FB8]  }
0x3d: {  	_ =	shalt  }
0x3e: {  	_ =	shalt  }
0x3f: {  	_ =	shalt  }
0x40: {  	_ =	shalt  }
0x41: {  	_ =	shalt  }
0x42: {  	_ =	shalt  }
0x43: {  	_ =	shalt  }
0x44: {  	_ =	shalt  }
0x45: {  	_ =	shalt  }
0x46: {  	_ =	shalt  }
0x47: {  	_ =	shalt  }
0x48: {  	_ =	shalt  }
0x49: {  	_ =	shalt  }
0x4a: {  	_ =	shalt  }
0x4b: {  	_ =	shalt  }
0x4c: {  	_ =	shalt  }
0x4d: {  	_ =	shalt  }
0x4e: {  	_ =	shalt  }
0x4f: {  	_ =	shalt  }
0x50: {  	_ =	shalt  }
0x51: {  	_ =	shalt  }
0x52: {  	_ =	shalt  }
0x53: {  	_ =	shalt  }
0x54: {  	_ =	shalt  }
0x55: {  	_ =	shalt  }
0x56: {  	_ =	shalt  }
0x57: {  	_ =	shalt  }
0x58: {  	_ =	shalt  }
0x59: {  	_ =	shalt  }
0x5a: {  	_ =	shalt  }
0x5b: {  	_ =	shalt  }
0x5c: {  	_ =	shalt  }
0x5d: {  	_ =	shalt  }
0x5e: {  	_ =	shalt  }
0x5f: {  	_ =	shalt  }
0x60: {  	_ =	shalt  }
0x61: {  	_ =	shalt  }
0x62: {  	_ =	shalt  }
0x63: {  	_ =	shalt  }
0x64: {  	_ =	shalt  }
0x65: {  	_ =	shalt  }
0x66: {  	_ =	shalt  }
0x67: {  	_ =	shalt  }
0x68: {  	_ =	shalt  }
0x69: {  	_ =	shalt  }
0x6a: {  	_ =	shalt  }
0x6b: {  	_ =	shalt  }
0x6c: {  	_ =	shalt  }
0x6d: {  	_ =	shalt  }
0x6e: {  	_ =	shalt  }
0x6f: {  	_ =	shalt  }
0x70: {  	_ =	shalt  }
0x71: {  	_ =	shalt  }
0x72: {  	_ =	shalt  }
0x73: {  	_ =	shalt  }
0x74: {  	_ =	shalt  }
0x75: {  	_ =	shalt  }
0x76: {  	_ =	shalt  }
0x77: {  	_ =	shalt  }
0x78: {  	_ =	shalt  }
0x79: {  	_ =	shalt  }
0x7a: {  	_ =	shalt  }
0x7b: {  	_ =	shalt  }
0x7c: {  	_ =	shalt  }
0x7d: {  	_ =	shalt  }
0x7e: {  	_ =	shalt  }
0x7f: {  	_ =	shalt  }
0x80: {  	_ =	shalt  }
0x81: {  	_ =	shalt  }
0x82: {  	_ =	shalt  }
0x83: {  	_ =	shalt  }
0x84: {  	_ =	shalt  }
0x85: {  	_ =	shalt  }
0x86: {  	_ =	shalt  }
0x87: {  	_ =	shalt  }
.Lfunc_end0:
.L_simem_size_0:
called_computation.2_lowered:
.L_overlay_start_0:
0x88: {  	s2 =	sld [smem:$0x3FD9]  }
0x89: {  	s3 =	sld [smem:$0x3FFE];
	_ =	sdelay $0x1  }
0x8a: {  	s1 =	srdreg.scid  }
0x8b: {  	s0 =	sand.u32 $0x1, s1  }
0x8c: {  	s16 =	sshll.u32 s0, $0xA;
	s2 =	sadd.s32 s3, s2  }
0x8d: {  	s2 =	sadd.s32 s2, s16  }
0x8e: {  	[smem:$0x3FC4] =	sst s2  }
0x8f: {  	_ = 	snop  }
0x90: {  	(tm) =	ssettm $0x1  }
0x91: {  	s17 =	sld [smem:$0x3FFB];
	_ =	sdelay $0x3  }
0x92: {  	_ =	strace s17  }
0x93: {  	s2 =	sld [smem:$0x3FFC];
	_ =	sdelay $0x3  }
0x94: {  	_ =	strace s2  }
0x95: {  	s2 =	sld [smem:$0x3FFD];
	_ =	sdelay $0x3  }
0x96: {  	_ =	strace s2  }
0x97: {  	_ =	strace $0x8FFFFFFF  }
0x98: {  	s18 =	sld [smem:$0x3FDB];
	_ =	sdelay $0x1  }
0x99: {  	s19 =	simm.s32 $_scs_section_size  }
0x9a: {  	s4 =	simm.s32 $_size__tile_overlayer_lowered;
	s5 =	simm.s32 $_tile_overlayer_lowered  }
0x9b: {  	s22 =	simm.s32 $0x1BFF;
	s21 =	sshll.u32 s5, $0x1;
	s2 =	sadd.s32 s19, s18  }
0x9c: {  	s6 =	simm.s32 $0x0;
	s20 =	sshll.u32 s4, $0x1;
	s4 =	sadd.s32 s21, s2  }
0x9d: {  	[timem:s6], [sflag:s22] =	dma.local [hbm:s4], s20  }
0x9e: {  	_ =	swait.ge [sflag:s22], s20  }
0x9f: {  	s3 =	ssub.s32 $0x0, s20;
	[sflag:s22] =	ssyncset.done $0x0  }
0xa0: {  	[sflag:s22] =	ssyncadd.s32 s3;
	_ =	sdelay $0x1  }
0xa1: {  	s23 =	simm.s32 $0x1B8B  }
0xa2: {  	_ =	swait.ge [sflag:s23], $0x1  }
0xa3: {  	[sflag:s23] =	ssyncset.done $0x0  }
0xa4: {  	s25 =	simm.s32 $0x1B8E;
	s24 =	sld [smem:$0x3FFE];
	[sflag:s23] =	ssyncadd.s32 $0xFFFFFFFF  }
0xa5: {  	s26 =	simm.s32 $execute0_lowered;
	[smem:$0x3FD2] =	sst s25  }
0xa6: {  	s4 =	sshll.u32 s26, $0x1;
	_ =	strace $0x8000004C;
	[dreg:$0x1] =	wrdreg $0xFFFFFFFF  }
0xa7: {  	s28 =	simm.s32 $_size_execute0_lowered;
	s2 =	sadd.s32 s2, s4;
	[dreg:$0x0] =	wrdreg $0x0  }
0xa8: {  	s4 =	sshll.u32 s28, $0x1;
	[dreg:$0x2] =	wrdreg s2  }
0xa9: {  	[dreg:$0x3] =	wrdreg s4  }
0xaa: {  	[dreg:$0x4] =	wrdreg $0xC0  }
0xab: {  	_ =	task [dreg:s6], $0x5FFFF  }
0xac: {  	[dreg:$0x1] =	wrdreg $0xFFFFFFFF  }
0xad: {  	[dreg:$0x0] =	wrdreg $0x60  }
0xae: {  	[dreg:$0x2] =	wrdreg s24  }
0xaf: {  	[dreg:$0x3] =	wrdreg $0xA8000  }
0xb0: {  	[dreg:$0x4] =	wrdreg $0x9  }
0xb1: {  	_ =	task.clear_ibuf [dreg:s6], $0x5FFFF;
	_ =	strace $0x9000004C  }
0xb2: {  	s29 =	simm.s32 $0x9;
	_ =	strace $0x8000004E  }
0xb3: {  	_ =	swait.ge [sflag:s29], $0x1  }
0xb4: {  	[sflag:s29] =	ssyncadd.s32 $0xFFFFFFFF  }
0xb5: {  	_ =	strace $0x9000004E  }
0xb6: {  	_ =	sfence  }
0xb7: {  	s30 =	sld [smem:$0x0];
	_ =	sdelay $0x2  }
0xb8: {  	s31 =	sshll.u32 s1, $0xD;
	s1 =	sshrl.u32 s1, $0x2  }
0xb9: {  	s3 =	sand.u32 $0x4000, s31;
	s1 =	sadd.s32 s1, s30  }
0xba: {  	s0 =	sor.u32 s3, s0;
	s1 =	sshll.u32 s1, $0x11  }
0xbb: {  	s0 =	sor.u32 s1, s0  }
0xbc: {  	s0 =	sadd.s32 $0x8F2B, s0  }
0xbd: {  	[sflag:s0] =	ssyncadd.remote.s32 $0x1  }
0xbe: {  	_ =	sfence.sel $0xFFFF  }
0xbf: {  	[dreg:$0x0] =	wrdreg $0xFFFFFFFF;
	(pc) =	sbr.abs _section_cstart, $3  }
0xc0: {  	[dreg:$0x1] =	wrdreg $0xFFFFFFFF  }
0xc1: {  	_ =	task.clear_ibuf [dreg:s6], $0x2FFFF;
	_ =	strace $0x9FFFFFFF  }
0xc2: {  	(tm) =	ssettm $0x7FFFFFFF  }
0xc3: {  	_ =	shalt  }
tec
execute0_lowered:
.L_overlay_start_1:
0x0: {  	(tag) =	ssettag $0x1  }
0x1: {  	s5 =	rddreg [dreg:$0x0]  }
0x2: {  	s2 =	rddreg [dreg:$0x1]  }
0x3: {  	s0 =	rddreg [dreg:$0x2];
	s4 =	srdreg.scid  }
0x4: {  	s1 =	stileid.u32;
	s3 =	simm.s32 $0x0;
	s15 =	simm.s32 $0x1400  }
0x5: {  	s16 =	simm.s32 $0x80;
	s17 =	simm.s32 $0x2800;
	s18 =	simm.s32 $0x6800  }
0x6: {  	s19 =	simm.s32 $0x1;
	s20 =	simm.s32 $0x2;
	s21 =	simm.s32 $0x2700  }
0x7: {  	s22 =	simm.s32 $0x2780;
	s23 =	simm.s32 $0x0;
	s7 =	smul.u32 $0x14000, s1  }
0x8: {  	s6 =	sand.u32 $0x1, s4;
	[smem:$0x7FF] =	sst s3;
	s10 =	smul.u32 $0x50000, s1  }
0x9: {  	s31 =	sshll.u32 s1, $0x6;
	s4 =	sshll.u32 s6, $0x4;
	s8 =	smul.u32 $0x140000, s6  }
0xa: {  	_ =	strace $0x8000004D;
	s6 =	ssub.s32 $0x2, s6;
	s9 =	sor.u32 s1, s4  }
0xb: {  	s4 =	sadd.s32 $0x2600, s5;
	s28 =	sshrl.u32 s6, $0x1;
	s29 =	sshrl.u32 s10, $0x2  }
0xc: {  	s30 =	sshrl.u32 s7, $0x3;
	s9 =	smul.u32 $0x280, s9;
	s8 =	sadd.s32 s7, s8  }
0xd: {  	s13 =	ssub.s32 s6, s28;
	s14 =	sadd.s32 s29, s2;
	s8 =	sshrl.u32 s8, $0x3  }
0xe: {  	s6 =	sor.u32 $0x1C03, s31;
	s11 =	sadd.s32 s9, s5;
	s12 =	sadd.s32 s8, s5  }
0xf: {  	s5 =	sadd.s32 s4, s30;
	s7 =	sadd.s32 $0x84600, s11;
	s8 =	sadd.s32 $0x7F600, s11  }
0x10: {  	s9 =	sadd.s32 $0x89600, s11;
	s10 =	sadd.s32 $0x7A600, s11;
	s11 =	sadd.s32 $0x2A600, s12  }
0x11: {  	s12 =	smax.u32 s13, $0x1;
	s13 =	sshrl.u32 s14, $0x3;
	s14 =	simm.s32 $0x3  }
.LBB2_1:
0x12: {  	[spmem:s13], [sflag:s6] =	dma.local [hbm:s5], $0x2800  }
0x13: {  	_ =	swait.ge [sflag:s14], $0x2800  }
0x14: {  	[sflag:s14] =	ssyncset.done $0x0  }
0x15: {  	[sflag:s14] =	ssyncadd.s32 $0xFFFFD800  }
0x16: {  	[bflag:$0x0] =	sbarrier.arrive $0xFFFF  }
0x17: {  	[tilespmem:s3], [sflag:$0x3] =	stream.linear.gather [hbm4b:s7+s3], $0x1400, $0x38;
	[tilespmem:$0x1E800] =	vst v63  }
0x18: {  	_ =	swait.ge [sflag:s14], $0x1400  }
0x19: {  	[sflag:s14] =	ssyncset.done $0x0  }
0x1a: {  	[sflag:s14] =	ssyncadd.s32 $0xFFFFEC00  }
0x1b: {  	[tilespmem:s15], [sflag:$0x3] =	stream.linear.gather [hbm4b:s8+s3], $0x1400, $0x38;
	[tilespmem:$0x1E800] =	vst v63  }
0x1c: {  	_ =	swait.ge [sflag:s14], $0x1400  }
0x1d: {  	[sflag:s14] =	ssyncset.done $0x0  }
0x1e: {  	[sflag:s14] =	ssyncadd.s32 $0xFFFFEC00  }
0x1f: {  	[tilespmem:s17], [sflag:$0x1] =	stream.indirect.gather [hbm4b:s4+s16], $0x80, s3, s16, $0xb8;
	[tilespmem:$0x1E800] =	vst v63  }
0x20: {  	_ = 	snop  }
0x21: {  	[tilespmem:s18], [sflag:$0x2] =	stream.indirect.gather [hbm4b:s4+s16], $0x80, s16, s16, $0xb8;
	[tilespmem:$0x1E800] =	vst v63  }
0x22: {  	_ =	swait.ge [sflag:s19], $0x4000  }
0x23: {  	[sflag:s19] =	ssyncset.done $0x0  }
0x24: {  	s24 =	simm.s32 $0x1400;
	[sflag:s19] =	ssyncadd.s32 $0xFFFFC000  }
0x25: {  	[spmem:s2] =	stream.indirect.scatter.add.f32 [tilespmem:s17], [sflag:$0x3], $0x80, s24, s16, $0xb8;
	[tilespmem:$0x1E800] =	vst v63  }
0x26: {  	_ =	swait.ge [sflag:s14], $0x4000  }
0x27: {  	[sflag:s14] =	ssyncset.done $0x0  }
0x28: {  	s30 =	simm.s32 $0x100;
	[sflag:s14] =	ssyncadd.s32 $0xFFFFC000  }
0x29: {  	[tilespmem:s17], [sflag:$0x1] =	stream.indirect.gather [hbm4b:s4+s16], $0x80, s30, s16, $0xb8;
	[tilespmem:$0x1E800] =	vst v63  }
0x2a: {  	_ =	swait.ge [sflag:s20], $0x4000  }
0x2b: {  	[sflag:s20] =	ssyncset.done $0x0  }
0x2c: {  	s31 =	simm.s32 $0x1480;
	[sflag:s20] =	ssyncadd.s32 $0xFFFFC000  }
0x2d: {  	[spmem:s2] =	stream.indirect.scatter.add.f32 [tilespmem:s18], [sflag:$0x3], $0x80, s31, s16, $0xb8;
	[tilespmem:$0x1E800] =	vst v63  }
0x2e: {  	_ =	swait.ge [sflag:s14], $0x4000  }
0x2f: {  	[sflag:s14] =	ssyncset.done $0x0  }
0x30: {  	s25 =	simm.s32 $0x180;
	s24 =	simm.s32 $0x400;
	[sflag:s14] =	ssyncadd.s32 $0xFFFFC000  }
.LBB2_2:
0x31: {  	[tilespmem:s18], [sflag:$0x2] =	stream.indirect.gather [hbm4b:s4+s16], $0x80, s25, s16, $0xb8;
	[tilespmem:$0x1E800] =	vst v63  }
0x32: {  	s25 =	smov.u32 s24  }
0x33: {  	p0 =	sne.s32 s24, $0x4800;
	s24 =	sadd.s32 $0x400, s24;
	_ =	swait.ge [sflag:s19], $0x4000  }
0x34: {  	s25 =	sshra.s32 s25, $0x2;
	[sflag:s19] =	ssyncset.done $0x0  }
0x35: {  	s26 =	sadd.s32 $0x1400, s25;
	[sflag:s19] =	ssyncadd.s32 $0xFFFFC000  }
0x36: {  	[spmem:s2] =	stream.indirect.scatter.add.f32 [tilespmem:s17], [sflag:$0x3], $0x80, s26, s16, $0xb8;
	[tilespmem:$0x1E800] =	vst v63  }
0x37: {  	_ =	swait.ge [sflag:s14], $0x4000  }
0x38: {  	[sflag:s14] =	ssyncset.done $0x0  }
0x39: {  	s26 =	sadd.s32 $0x100, s25;
	[sflag:s14] =	ssyncadd.s32 $0xFFFFC000  }
0x3a: {  	[tilespmem:s17], [sflag:$0x1] =	stream.indirect.gather [hbm4b:s4+s16], $0x80, s26, s16, $0xb8;
	[tilespmem:$0x1E800] =	vst v63  }
0x3b: {  	_ =	swait.ge [sflag:s20], $0x4000  }
0x3c: {  	[sflag:s20] =	ssyncset.done $0x0  }
.Ltmp0:
0x3d: {  	s26 =	sadd.s32 $0x1480, s25;
	[sflag:s20] =	ssyncadd.s32 $0xFFFFC000;
	(pc) =	sbr.rel @p0 .LBB2_2-.Ltmp0, $4  }
0x3e: {  	[spmem:s2] =	stream.indirect.scatter.add.f32 [tilespmem:s18], [sflag:$0x3], $0x80, s26, s16, $0xb8;
	[tilespmem:$0x1E800] =	vst v63  }
0x3f: {  	_ =	swait.ge [sflag:s14], $0x4000  }
0x40: {  	[sflag:s14] =	ssyncset.done $0x0  }
0x41: {  	s25 =	sadd.s32 $0x180, s25;
	[sflag:s14] =	ssyncadd.s32 $0xFFFFC000  }
0x42: {  	[tilespmem:s18], [sflag:$0x2] =	stream.indirect.gather [hbm4b:s4+s16], $0x80, s25, s16, $0xb8;
	[tilespmem:$0x1E800] =	vst v63  }
0x43: {  	_ =	swait.ge [sflag:s19], $0x4000  }
0x44: {  	[sflag:s19] =	ssyncset.done $0x0  }
0x45: {  	[sflag:s19] =	ssyncadd.s32 $0xFFFFC000  }
0x46: {  	[spmem:s2] =	stream.indirect.scatter.add.f32 [tilespmem:s17], [sflag:$0x3], $0x80, s21, s16, $0xb8;
	[tilespmem:$0x1E800] =	vst v63  }
0x47: {  	_ =	swait.ge [sflag:s14], $0x4000  }
0x48: {  	[sflag:s14] =	ssyncset.done $0x0  }
0x49: {  	[sflag:s14] =	ssyncadd.s32 $0xFFFFC000  }
0x4a: {  	_ =	swait.ge [sflag:s20], $0x4000  }
0x4b: {  	[sflag:s20] =	ssyncset.done $0x0  }
0x4c: {  	[sflag:s20] =	ssyncadd.s32 $0xFFFFC000  }
0x4d: {  	[spmem:s2] =	stream.indirect.scatter.add.f32 [tilespmem:s18], [sflag:$0x3], $0x80, s22, s16, $0xb8;
	[tilespmem:$0x1E800] =	vst v63  }
0x4e: {  	_ =	swait.ge [sflag:s14], $0x4000  }
0x4f: {  	[sflag:s14] =	ssyncset.done $0x0  }
0x50: {  	s24 =	simm.s32 $0x0;
	[sflag:s14] =	ssyncadd.s32 $0xFFFFC000  }
0x51: {  	[tilespmem:s24], [sflag:$0x3] =	stream.linear.gather [hbm4b:s9+s24], $0x1400, $0x38;
	[tilespmem:$0x1E800] =	vst v63  }
0x52: {  	_ =	swait.ge [sflag:s14], $0x1400  }
0x53: {  	[sflag:s14] =	ssyncset.done $0x0  }
0x54: {  	[sflag:s14] =	ssyncadd.s32 $0xFFFFEC00  }
0x55: {  	[tilespmem:s15], [sflag:$0x3] =	stream.linear.gather [hbm4b:s10+s24], $0x1400, $0x38;
	[tilespmem:$0x1E800] =	vst v63  }
0x56: {  	_ =	swait.ge [sflag:s14], $0x1400  }
0x57: {  	[sflag:s14] =	ssyncset.done $0x0  }
0x58: {  	[sflag:s14] =	ssyncadd.s32 $0xFFFFEC00  }
0x59: {  	[tilespmem:s17], [sflag:$0x1] =	stream.indirect.gather [hbm4b:s4+s16], $0x80, s24, s16, $0xb8;
	[tilespmem:$0x1E800] =	vst v63  }
0x5a: {  	_ = 	snop  }
0x5b: {  	[tilespmem:s18], [sflag:$0x2] =	stream.indirect.gather [hbm4b:s4+s16], $0x80, s16, s16, $0xb8;
	[tilespmem:$0x1E800] =	vst v63  }
0x5c: {  	_ =	swait.ge [sflag:s19], $0x4000  }
0x5d: {  	[sflag:s19] =	ssyncset.done $0x0  }
0x5e: {  	s29 =	simm.s32 $0x1400;
	[sflag:s19] =	ssyncadd.s32 $0xFFFFC000  }
0x5f: {  	[spmem:s2] =	stream.indirect.scatter.add.f32 [tilespmem:s17], [sflag:$0x3], $0x80, s29, s16, $0xb8;
	[tilespmem:$0x1E800] =	vst v63  }
0x60: {  	_ =	swait.ge [sflag:s14], $0x4000  }
0x61: {  	[sflag:s14] =	ssyncset.done $0x0  }
0x62: {  	s30 =	simm.s32 $0x100;
	[sflag:s14] =	ssyncadd.s32 $0xFFFFC000  }
0x63: {  	[tilespmem:s17], [sflag:$0x1] =	stream.indirect.gather [hbm4b:s4+s16], $0x80, s30, s16, $0xb8;
	[tilespmem:$0x1E800] =	vst v63  }
0x64: {  	_ =	swait.ge [sflag:s20], $0x4000  }
0x65: {  	[sflag:s20] =	ssyncset.done $0x0  }
0x66: {  	s31 =	simm.s32 $0x1480;
	[sflag:s20] =	ssyncadd.s32 $0xFFFFC000  }
0x67: {  	[spmem:s2] =	stream.indirect.scatter.add.f32 [tilespmem:s18], [sflag:$0x3], $0x80, s31, s16, $0xb8;
	[tilespmem:$0x1E800] =	vst v63  }
0x68: {  	_ =	swait.ge [sflag:s14], $0x4000  }
0x69: {  	[sflag:s14] =	ssyncset.done $0x0  }
0x6a: {  	s25 =	simm.s32 $0x180;
	s24 =	simm.s32 $0x400;
	[sflag:s14] =	ssyncadd.s32 $0xFFFFC000  }
.LBB2_4:
0x6b: {  	[tilespmem:s18], [sflag:$0x2] =	stream.indirect.gather [hbm4b:s4+s16], $0x80, s25, s16, $0xb8;
	[tilespmem:$0x1E800] =	vst v63  }
0x6c: {  	s25 =	smov.u32 s24  }
0x6d: {  	p0 =	sne.s32 s24, $0x4800;
	s24 =	sadd.s32 $0x400, s24;
	_ =	swait.ge [sflag:s19], $0x4000  }
0x6e: {  	s25 =	sshra.s32 s25, $0x2;
	[sflag:s19] =	ssyncset.done $0x0  }
0x6f: {  	s26 =	sadd.s32 $0x1400, s25;
	[sflag:s19] =	ssyncadd.s32 $0xFFFFC000  }
0x70: {  	[spmem:s2] =	stream.indirect.scatter.add.f32 [tilespmem:s17], [sflag:$0x3], $0x80, s26, s16, $0xb8;
	[tilespmem:$0x1E800] =	vst v63  }
0x71: {  	_ =	swait.ge [sflag:s14], $0x4000  }
0x72: {  	[sflag:s14] =	ssyncset.done $0x0  }
0x73: {  	s26 =	sadd.s32 $0x100, s25;
	[sflag:s14] =	ssyncadd.s32 $0xFFFFC000  }
0x74: {  	[tilespmem:s17], [sflag:$0x1] =	stream.indirect.gather [hbm4b:s4+s16], $0x80, s26, s16, $0xb8;
	[tilespmem:$0x1E800] =	vst v63  }
0x75: {  	_ =	swait.ge [sflag:s20], $0x4000  }
0x76: {  	[sflag:s20] =	ssyncset.done $0x0  }
.Ltmp1:
0x77: {  	s26 =	sadd.s32 $0x1480, s25;
	[sflag:s20] =	ssyncadd.s32 $0xFFFFC000;
	(pc) =	sbr.rel @p0 .LBB2_4-.Ltmp1, $4  }
0x78: {  	[spmem:s2] =	stream.indirect.scatter.add.f32 [tilespmem:s18], [sflag:$0x3], $0x80, s26, s16, $0xb8;
	[tilespmem:$0x1E800] =	vst v63  }
0x79: {  	_ =	swait.ge [sflag:s14], $0x4000  }
0x7a: {  	[sflag:s14] =	ssyncset.done $0x0  }
0x7b: {  	s25 =	sadd.s32 $0x180, s25;
	[sflag:s14] =	ssyncadd.s32 $0xFFFFC000  }
0x7c: {  	[tilespmem:s18], [sflag:$0x2] =	stream.indirect.gather [hbm4b:s4+s16], $0x80, s25, s16, $0xb8;
	[tilespmem:$0x1E800] =	vst v63  }
0x7d: {  	_ =	swait.ge [sflag:s19], $0x4000  }
0x7e: {  	[sflag:s19] =	ssyncset.done $0x0  }
0x7f: {  	[sflag:s19] =	ssyncadd.s32 $0xFFFFC000  }
0x80: {  	[spmem:s2] =	stream.indirect.scatter.add.f32 [tilespmem:s17], [sflag:$0x3], $0x80, s21, s16, $0xb8;
	[tilespmem:$0x1E800] =	vst v63  }
0x81: {  	_ =	swait.ge [sflag:s14], $0x4000  }
0x82: {  	[sflag:s14] =	ssyncset.done $0x0  }
0x83: {  	[sflag:s14] =	ssyncadd.s32 $0xFFFFC000  }
0x84: {  	_ =	swait.ge [sflag:s20], $0x4000  }
0x85: {  	[sflag:s20] =	ssyncset.done $0x0  }
0x86: {  	[sflag:s20] =	ssyncadd.s32 $0xFFFFC000  }
0x87: {  	[spmem:s2] =	stream.indirect.scatter.add.f32 [tilespmem:s18], [sflag:$0x3], $0x80, s22, s16, $0xb8;
	[tilespmem:$0x1E800] =	vst v63  }
0x88: {  	_ =	swait.ge [sflag:s14], $0x4000  }
0x89: {  	s23 =	sadd.s32 $0x1, s23;
	[sflag:s14] =	ssyncset.done $0x0  }
0x8a: {  	p0 =	sne.s32 s23, s12;
	[sflag:s14] =	ssyncadd.s32 $0xFFFFC000  }
.Ltmp2:
0x8b: {  	[bflag:$0x0] =	sbarrier.arrive $0xFFFF;
	(pc) =	sbr.rel @p0 .LBB2_1-.Ltmp2, $4  }
0x8c: {  	[hbm:s11], [sflag:s6] =	dma.local [spmem:s13], $0x2800  }
0x8d: {  	_ =	swait.ge [sflag:s14], $0x2800  }
0x8e: {  	[sflag:s14] =	ssyncset.done $0x0  }
0x8f: {  	[sflag:s14] =	ssyncadd.s32 $0xFFFFD800  }
0x90: {  	_ =	sfence.sel $0x180000  }
0x91: {  	[bflag:$0x0] =	sbarrier.arrive $0xFFFF  }
0x92: {  	p0 =	sne.s32 s1, $0x0;
	_ =	strace $0x9000004D  }
0x93: {  	s0 =	sadd.s32 @!p0 $0x100000, s0;
	[bflag:$0x2] =	sbarrier.arrive $0xFFFF  }
0x94: {  	[sflag:s0] =	ssyncadd.tile.s32 @!p0 $0x1;
	_ =	shalt  }
.Lfunc_end2:
_tile_overlayer_lowered:
.L_overlay_start_2:
0x95: {  	(tag) =	ssettag $0x2  }
0x96: {  	s0 =	rddreg [dreg:$0x0];
	s2 =	stileid.u32  }
0x97: {  	s1 =	rddreg [dreg:$0x1];
	p0 =	sne.s32 s2, $0x0  }
0x98: {  	s3 =	rddreg [dreg:$0x2];
	[bflag:$0x3] =	sbarrier.arrive $0xFFFF;
	s2 =	simm.s32 @!p0 $0x1C03  }
0x99: {  	[timem:s3], [sflag:s2] =	dma.local @!p0 [hbm:s0], s1  }
0x9a: {  	s0 =	simm.s32 @!p0 $0x3  }
0x9b: {  	_ =	swait.ge @!p0 [sflag:s0], s1  }
0x9c: {  	s1 =	ssub.s32 @!p0 $0x0, s1;
	[sflag:s0] =	ssyncset.done @!p0 $0x0  }
0x9d: {  	[sflag:s0] =	ssyncadd.s32 @!p0 s1  }
0x9e: {  	[bflag:$0x3] =	sbarrier.arrive $0xFFFF  }
0x9f: {  	_ =	shalt  }

// kernel: kernel.8.cloned.1.call-start
scs
__scs_entry_jumppad:
0x0: {  	(pc) =	sbr.rel $0x88, $3  }
0x1: {  	(tag) =	ssettag $0x0;
	lr =	simm.s32 $0x1  }
0x2: {  	[smem:$0x3F9D] =	sst lr;
	_ =	strace $0xD0000000  }
0x3: {  	_ = 	snop  }
0x4: {  	_ = 	snop  }
0x5: {  	_ = 	snop  }
0x6: {  	_ = 	snop  }
0x7: {  	_ = 	snop  }
__scs_overlays_trampoline_lowered:
0x8: {  	[smem:$0x3FAC] =	sst s0  }
0x9: {  	[smem:$0x3FAD] =	sst s1  }
0xa: {  	[smem:$0x3FAE] =	sst s2  }
0xb: {  	[smem:$0x3FAF] =	sst s3  }
0xc: {  	[smem:$0x3FB0] =	sst s4  }
0xd: {  	[smem:$0x3FB1] =	sst s5  }
0xe: {  	[smem:$0x3FB2] =	sst s6  }
0xf: {  	[smem:$0x3FB3] =	sst s7  }
0x10: {  	[smem:$0x3FB4] =	sst s8  }
0x11: {  	[smem:$0x3FB5] =	sst s9;
	s0 =	simm.s32 @!p0 $0x0  }
0x12: {  	s1 =	sld [smem:$0x3F9B];
	s0 =	simm.s32 @p0 $0x1  }
0x13: {  	[smem:$0x3FB6] =	sst s0;
	s0 =	simm.s32 @!p1 $0x0  }
0x14: {  	s2 =	sld [smem:$0x3F9A];
	s0 =	simm.s32 @p1 $0x1  }
0x15: {  	[smem:$0x3FB7] =	sst s0;
	s0 =	simm.s32 @!p2 $0x0  }
0x16: {  	s3 =	sld [smem:$0x3FDB];
	s0 =	simm.s32 @p2 $0x1  }
0x17: {  	s4 =	simm.s32 $0x1BF5;
	[smem:$0x3FB9] =	sst s0  }
0x18: {  	s0 =	sld [smem:$0x3F9C];
	_ =	swait.ge [sflag:s4], $0x0  }
0x19: {  	s7 =	sld [smem:$0x3F9D]  }
0x1a: {  	s8 =	sadd.s32 $0xFFFFE003, lr  }
0x1b: {  	s9 =	sadd.s32 $0xFFFFFEF7, lr;
	s5 =	simm.s32 $0xFFFFFFFF;
	p2 =	slt.u32 s8, $0xFFFFF086  }
0x1c: {  	p1 =	slt.u32 s9, $0xF7A;
	s5 =	simm.s32 @!p2 $0x0  }
0x1d: {  	s5 =	simm.s32 @p1 $0x1;
	p0 =	seq.s32 s7, s2  }
0x1e: {  	s7 =	smul.u32 @!p0 $0xF7A, s2;
	p2 =	seq.s32 @!p0 s5, $0x0  }
0x1f: {  	s9 =	smul.u32 $0xF7A, s1;
	s8 =	simm.s32 @!p0 $0x1BF5;
	p2 =	por !p2, p0  }
0x20: {  	[sflag:s8] =	ssyncset.s32 @!p0 $0xFFFFF086;
	s6 =	sadd.s32 @!p0 s3, s7;
	s7 =	simm.s32 @!p0 $0x108  }
0x21: {  	s3 =	sadd.s32 s3, s9;
	s6 =	sadd.s32 @!p0 $0x88, s6;
	s7 =	simm.s32 @p2 $0x1082  }
0x22: {  	[simem:s7], [sflag:s8] =	dma.local @!p0 [hbm:s6], $0xF7A  }
0x23: {  	s9 =	sor.u32 $0xD0000000, s2;
	s6 =	simm.s32 $0x108;
	_ =	swait.ge @!p0 [sflag:s8], $0x0  }
0x24: {  	s3 =	sadd.s32 $0x88, s3;
	s6 =	simm.s32 @!p1 $0x1082;
	[sflag:s4] =	ssyncset.s32 $0xFFFFF086  }
0x25: {  	[simem:s6], [sflag:s4] =	dma.local [hbm:s3], $0xF7A  }
0x26: {  	[smem:$0x3F9D] =	sst s1;
	(tag) =	ssettag s2;
	_ =	strace s9  }
0x27: {  	s1 =	sld [smem:$0x3FAD]  }
0x28: {  	s2 =	sld [smem:$0x3FAE]  }
0x29: {  	s4 =	sld [smem:$0x3FB0]  }
0x2a: {  	p0 =	seq.s32 s5, $0x0;
	s5 =	sld [smem:$0x3FB1]  }
0x2b: {  	s6 =	sld [smem:$0x3FB2]  }
0x2c: {  	s7 =	sld [smem:$0x3FB3]  }
0x2d: {  	s3 =	simm.s32 $0x108;
	s8 =	sld [smem:$0x3FB4]  }
0x2e: {  	s3 =	simm.s32 @!p0 $0x1082;
	s9 =	sld [smem:$0x3FB5]  }
0x2f: {  	lr =	sadd.s32 s0, s3;
	s0 =	sld [smem:$0x3FAC]  }
0x30: {  	s3 =	sld [smem:$0x3FAF]  }
0x31: {  	[smem:$0x3FB8] =	sst s10  }
0x32: {  	s10 =	sld [smem:$0x3FB6];
	_ =	sdelay $0x3  }
0x33: {  	p0 =	seq.s32 s10, $0x1;
	s10 =	sld [smem:$0x3FB8];
	_ =	sdelay $0x3  }
0x34: {  	[smem:$0x3FB8] =	sst s10  }
0x35: {  	s10 =	sld [smem:$0x3FB7];
	_ =	sdelay $0x3  }
0x36: {  	p1 =	seq.s32 s10, $0x1;
	s10 =	sld [smem:$0x3FB8];
	_ =	sdelay $0x3  }
0x37: {  	[smem:$0x3FB8] =	sst s10  }
0x38: {  	s10 =	sld [smem:$0x3FB9]  }
0x39: {  	_ = 	snop;
	(pc) =	sbr.ind lr, $3  }
0x3a: {  	_ = 	snop  }
0x3b: {  	_ = 	snop  }
0x3c: {  	p2 =	seq.s32 s10, $0x1;
	s10 =	sld [smem:$0x3FB8]  }
0x3d: {  	_ =	shalt  }
0x3e: {  	_ =	shalt  }
0x3f: {  	_ =	shalt  }
0x40: {  	_ =	shalt  }
0x41: {  	_ =	shalt  }
0x42: {  	_ =	shalt  }
0x43: {  	_ =	shalt  }
0x44: {  	_ =	shalt  }
0x45: {  	_ =	shalt  }
0x46: {  	_ =	shalt  }
0x47: {  	_ =	shalt  }
0x48: {  	_ =	shalt  }
0x49: {  	_ =	shalt  }
0x4a: {  	_ =	shalt  }
0x4b: {  	_ =	shalt  }
0x4c: {  	_ =	shalt  }
0x4d: {  	_ =	shalt  }
0x4e: {  	_ =	shalt  }
0x4f: {  	_ =	shalt  }
0x50: {  	_ =	shalt  }
0x51: {  	_ =	shalt  }
0x52: {  	_ =	shalt  }
0x53: {  	_ =	shalt  }
0x54: {  	_ =	shalt  }
0x55: {  	_ =	shalt  }
0x56: {  	_ =	shalt  }
0x57: {  	_ =	shalt  }
0x58: {  	_ =	shalt  }
0x59: {  	_ =	shalt  }
0x5a: {  	_ =	shalt  }
0x5b: {  	_ =	shalt  }
0x5c: {  	_ =	shalt  }
0x5d: {  	_ =	shalt  }
0x5e: {  	_ =	shalt  }
0x5f: {  	_ =	shalt  }
0x60: {  	_ =	shalt  }
0x61: {  	_ =	shalt  }
0x62: {  	_ =	shalt  }
0x63: {  	_ =	shalt  }
0x64: {  	_ =	shalt  }
0x65: {  	_ =	shalt  }
0x66: {  	_ =	shalt  }
0x67: {  	_ =	shalt  }
0x68: {  	_ =	shalt  }
0x69: {  	_ =	shalt  }
0x6a: {  	_ =	shalt  }
0x6b: {  	_ =	shalt  }
0x6c: {  	_ =	shalt  }
0x6d: {  	_ =	shalt  }
0x6e: {  	_ =	shalt  }
0x6f: {  	_ =	shalt  }
0x70: {  	_ =	shalt  }
0x71: {  	_ =	shalt  }
0x72: {  	_ =	shalt  }
0x73: {  	_ =	shalt  }
0x74: {  	_ =	shalt  }
0x75: {  	_ =	shalt  }
0x76: {  	_ =	shalt  }
0x77: {  	_ =	shalt  }
0x78: {  	_ =	shalt  }
0x79: {  	_ =	shalt  }
0x7a: {  	_ =	shalt  }
0x7b: {  	_ =	shalt  }
0x7c: {  	_ =	shalt  }
0x7d: {  	_ =	shalt  }
0x7e: {  	_ =	shalt  }
0x7f: {  	_ =	shalt  }
0x80: {  	_ =	shalt  }
0x81: {  	_ =	shalt  }
0x82: {  	_ =	shalt  }
0x83: {  	_ =	shalt  }
0x84: {  	_ =	shalt  }
0x85: {  	_ =	shalt  }
0x86: {  	_ =	shalt  }
0x87: {  	_ =	shalt  }
.Lfunc_end0:
.L_simem_size_0:
called_computation_lowered:
.L_overlay_start_0:
0x88: {  	s2 =	sld [smem:$0x3FD9]  }
0x89: {  	s3 =	sld [smem:$0x3FFE];
	_ =	sdelay $0x1  }
0x8a: {  	s1 =	srdreg.scid  }
0x8b: {  	s0 =	sand.u32 $0x1, s1  }
0x8c: {  	s17 =	sshll.u32 s0, $0xA;
	s2 =	sadd.s32 s3, s2  }
0x8d: {  	s2 =	sadd.s32 s2, s17  }
0x8e: {  	[smem:$0x3FC4] =	sst s2  }
0x8f: {  	_ = 	snop  }
0x90: {  	s2 =	sld [smem:$0x3FD0];
	(tm) =	ssettm $0x1  }
0x91: {  	s18 =	sld [smem:$0x3FFB];
	_ =	sdelay $0x3  }
0x92: {  	_ =	strace s18  }
0x93: {  	s3 =	sld [smem:$0x3FFC];
	_ =	sdelay $0x3  }
0x94: {  	_ =	strace s3  }
0x95: {  	s3 =	sld [smem:$0x3FFD];
	_ =	sdelay $0x3  }
0x96: {  	_ =	strace s3  }
0x97: {  	_ =	strace $0x8FFFFFFF  }
0x98: {  	s19 =	sld [smem:$0x3FDB];
	_ =	sdelay $0x1  }
0x99: {  	s4 =	simm.s32 $_scs_section_size  }
0x9a: {  	s5 =	simm.s32 $_size__tile_overlayer_lowered;
	s6 =	simm.s32 $_tile_overlayer_lowered  }
0x9b: {  	s22 =	simm.s32 $0x1BFF;
	s21 =	sshll.u32 s6, $0x1;
	s3 =	sadd.s32 s4, s19  }
0x9c: {  	s7 =	simm.s32 $0x0;
	s20 =	sshll.u32 s5, $0x1;
	s5 =	sadd.s32 s21, s3  }
0x9d: {  	[timem:s7], [sflag:s22] =	dma.local [hbm:s5], s20  }
0x9e: {  	_ =	swait.ge [sflag:s22], s20  }
0x9f: {  	s4 =	ssub.s32 $0x0, s20;
	[sflag:s22] =	ssyncset.done $0x0  }
0xa0: {  	[sflag:s22] =	ssyncadd.s32 s4;
	_ =	sdelay $0x1  }
0xa1: {  	s23 =	simm.s32 $0x1B8B  }
0xa2: {  	_ =	swait.ge [sflag:s23], $0x1  }
0xa3: {  	[sflag:s23] =	ssyncset.done $0x0  }
0xa4: {  	s25 =	simm.s32 $0x1B8E;
	s24 =	sld [smem:$0x3FFE];
	[sflag:s23] =	ssyncadd.s32 $0xFFFFFFFF  }
0xa5: {  	s26 =	simm.s32 $execute0_lowered;
	[smem:$0x3FD2] =	sst s25  }
0xa6: {  	s5 =	sshll.u32 s26, $0x1;
	_ =	strace $0x80000046;
	[dreg:$0x1] =	wrdreg $0xFFFFFFFF  }
0xa7: {  	s28 =	simm.s32 $_size_execute0_lowered;
	s3 =	sadd.s32 s3, s5;
	[dreg:$0x0] =	wrdreg $0x0  }
0xa8: {  	s5 =	sshll.u32 s28, $0x1;
	[dreg:$0x2] =	wrdreg s3  }
0xa9: {  	[dreg:$0x3] =	wrdreg s5  }
0xaa: {  	[dreg:$0x4] =	wrdreg $0xC0  }
0xab: {  	_ =	task [dreg:s7], $0x5FFFF  }
0xac: {  	[dreg:$0x1] =	wrdreg $0xFFFFFFFF  }
0xad: {  	[dreg:$0x0] =	wrdreg $0x60  }
0xae: {  	[dreg:$0x2] =	wrdreg s2  }
0xaf: {  	[dreg:$0x3] =	wrdreg s24  }
0xb0: {  	[dreg:$0x4] =	wrdreg $0x68000  }
0xb1: {  	[dreg:$0x5] =	wrdreg $0x9  }
0xb2: {  	_ =	task.clear_ibuf [dreg:s7], $0x6FFFF;
	_ =	strace $0x90000046  }
0xb3: {  	s29 =	simm.s32 $0x9;
	_ =	strace $0x80000048  }
0xb4: {  	_ =	swait.ge [sflag:s29], $0x1  }
0xb5: {  	[sflag:s29] =	ssyncadd.s32 $0xFFFFFFFF  }
0xb6: {  	_ =	strace $0x90000048  }
0xb7: {  	_ =	sfence  }
0xb8: {  	s30 =	sld [smem:$0x0];
	_ =	sdelay $0x2  }
0xb9: {  	s31 =	sshll.u32 s1, $0xD;
	s1 =	sshrl.u32 s1, $0x2  }
0xba: {  	s3 =	sand.u32 $0x4000, s31;
	s1 =	sadd.s32 s1, s30  }
0xbb: {  	s0 =	sor.u32 s3, s0;
	s1 =	sshll.u32 s1, $0x11  }
0xbc: {  	s0 =	sor.u32 s1, s0  }
0xbd: {  	s0 =	sadd.s32 $0x8F2B, s0  }
0xbe: {  	[sflag:s0] =	ssyncadd.remote.s32 $0x1  }
0xbf: {  	_ =	sfence.sel $0xFFFF  }
0xc0: {  	[dreg:$0x0] =	wrdreg $0xFFFFFFFF;
	(pc) =	sbr.abs _section_cstart, $3  }
0xc1: {  	[dreg:$0x1] =	wrdreg $0xFFFFFFFF  }
0xc2: {  	_ =	task.clear_ibuf [dreg:s7], $0x2FFFF;
	_ =	strace $0x9FFFFFFF  }
0xc3: {  	(tm) =	ssettm $0x7FFFFFFF  }
tec
execute0_lowered:
.L_overlay_start_1:
0x0: {  	(tag) =	ssettag $0x1  }
0x1: {  	s6 =	rddreg [dreg:$0x0]  }
0x2: {  	s4 =	rddreg [dreg:$0x1];
	s0 =	stileid.u32  }
0x3: {  	s1 =	srdreg.scid;
	s2 =	rddreg [dreg:$0x2];
	s3 =	simm.s32 $0x0  }
0x4: {  	s5 =	smul.u32 $0x14000, s0;
	s7 =	sand.u32 $0x1, s1;
	s1 =	rddreg [dreg:$0x3]  }
0x5: {  	[smem:$0x7FF] =	sst s3;
	s10 =	smul.u32 $0x50000, s0;
	s31 =	sshll.u32 s0, $0x6  }
0x6: {  	s8 =	smul.u32 $0x140000, s7;
	_ =	strace $0x80000047;
	s25 =	sshll.u32 s7, $0x4  }
0x7: {  	s26 =	ssub.s32 $0x2, s7;
	s9 =	sshrl.u32 s5, $0x3;
	s28 =	sor.u32 s0, s25  }
0x8: {  	s7 =	sshrl.u32 s26, $0x1;
	s29 =	sshrl.u32 s10, $0x2;
	s10 =	simm.s32 $0x1  }
0x9: {  	s9 =	sadd.s32 s9, s4;
	s5 =	sadd.s32 s5, s8;
	s30 =	smul.u32 $0x500, s28  }
0xa: {  	s12 =	ssub.s32 s26, s7;
	s13 =	sadd.s32 s29, s2;
	s5 =	sshrl.u32 s5, $0x3  }
0xb: {  	s8 =	smax.u32 s12, $0x1;
	s12 =	simm.s32 $0x2800;
	s11 =	sadd.s32 s5, s4  }
0xc: {  	s4 =	sadd.s32 $0x2600, s9;
	s5 =	sor.u32 $0x1C01, s31;
	s6 =	sadd.s32 s6, s30  }
0xd: {  	v0 =	vimm.f32 $1.000000000e+00;
	s9 =	sshrl.u32 s13, $0x3;
	s7 =	sadd.s32 $0x2A600, s11;
	s11 =	simm.s32 $0x80  }
.LBB2_1:
0xe: {  	s13 =	simm.s32 $0x200;
	s14 =	simm.s32 $0x0  }
.LBB2_2:
0xf: {  	p0 =	sne.s32 s13, $0xFE00;
	[tilespmem:s14+$0x2800] =	vst v0;
	s14 =	smov.u32 s13;
	s13 =	sadd.s32 $0x200, s13  }
.Ltmp0:
0x10: {  	(pc) =	sbr.rel @p0 .LBB2_2-.Ltmp0, $2  }
0x11: {  	_ =	sdelay $0x2  }
0x12: {  	s14 =	sshra.s32 s14, $0x2  }
0x13: {  	[tilespmem:s14+$0x2800] =	vst v0  }
0x14: {  	[spmem:s9], [sflag:s5] =	dma.local [hbm:s4], $0x2800  }
0x15: {  	_ =	swait.ge [sflag:s10], $0x2800  }
0x16: {  	[sflag:s10] =	ssyncset.done $0x0  }
0x17: {  	s13 =	simm.s32 $0x0;
	[sflag:s10] =	ssyncadd.s32 $0xFFFFD800  }
0x18: {  	[tilespmem:s13], [sflag:$0x1] =	stream.linear.gather [hbm4b:s6+s13], $0x2800, $0x38;
	[tilespmem:$0x9000] =	vst v63  }
0x19: {  	_ =	swait.ge [sflag:s10], $0x2800  }
0x1a: {  	[sflag:s10] =	ssyncset.done $0x0  }
0x1b: {  	[sflag:s10] =	ssyncadd.s32 $0xFFFFD800  }
0x1c: {  	s31 =	simm.s32 $0x0;
	[bflag:$0x0] =	sbarrier.arrive $0xFFFF  }
0x1d: {  	[spmem:s2] =	stream.indirect.scatter.add.f32 [tilespmem:s12], [sflag:$0x1], $0x10, s31, s11, $0xb8;
	[tilespmem:$0x9000] =	vst v63  }
0x1e: {  	_ =	swait.ge [sflag:s10], $0x800  }
0x1f: {  	s13 =	simm.s32 $0x200;
	[sflag:s10] =	ssyncset.done $0x0  }
.LBB2_4:
0x20: {  	s14 =	sshra.s32 s13, $0x2;
	[sflag:s10] =	ssyncadd.s32 $0xFFFFF800;
	p0 =	sne.s32 s13, $0x9E00  }
0x21: {  	[spmem:s2] =	stream.indirect.scatter.add.f32 [tilespmem:s12], [sflag:$0x1], $0x10, s14, s11, $0xb8;
	[tilespmem:$0x9000] =	vst v63  }
.Ltmp1:
0x22: {  	_ = 	snop;
	(pc) =	sbr.rel @p0 .LBB2_4-.Ltmp1, $4  }
0x23: {  	_ = 	snop  }
0x24: {  	s13 =	sadd.s32 $0x200, s13  }
0x25: {  	_ =	swait.ge [sflag:s10], $0x800  }
0x26: {  	[sflag:s10] =	ssyncset.done $0x0  }
0x27: {  	s3 =	sadd.s32 $0x1, s3  }
0x28: {  	[sflag:s10] =	ssyncadd.s32 $0xFFFFF800;
	p0 =	sne.s32 s3, s8  }
.Ltmp2:
0x29: {  	[bflag:$0x0] =	sbarrier.arrive $0xFFFF;
	(pc) =	sbr.rel @p0 .LBB2_1-.Ltmp2, $4  }
0x2a: {  	[hbm:s7], [sflag:s5] =	dma.local [spmem:s9], $0x2800  }
0x2b: {  	_ =	swait.ge [sflag:s10], $0x2800  }
0x2c: {  	[sflag:s10] =	ssyncset.done $0x0  }
0x2d: {  	[sflag:s10] =	ssyncadd.s32 $0xFFFFD800  }
0x2e: {  	_ =	sfence.sel $0x180000  }
0x2f: {  	[bflag:$0x0] =	sbarrier.arrive $0xFFFF  }
0x30: {  	p0 =	sne.s32 s0, $0x0;
	_ =	strace $0x90000047  }
0x31: {  	s0 =	sadd.s32 @!p0 $0x100000, s1;
	[bflag:$0x2] =	sbarrier.arrive $0xFFFF  }
0x32: {  	[sflag:s0] =	ssyncadd.tile.s32 @!p0 $0x1;
	_ =	shalt  }
.Lfunc_end2:
_tile_overlayer_lowered:
.L_overlay_start_2:
0x33: {  	(tag) =	ssettag $0x2  }
0x34: {  	s0 =	rddreg [dreg:$0x0];
	s2 =	stileid.u32  }
0x35: {  	s1 =	rddreg [dreg:$0x1];
	p0 =	sne.s32 s2, $0x0  }
0x36: {  	s3 =	rddreg [dreg:$0x2];
	[bflag:$0x3] =	sbarrier.arrive $0xFFFF;
	s2 =	simm.s32 @!p0 $0x1C01  }
0x37: {  	[timem:s3], [sflag:s2] =	dma.local @!p0 [hbm:s0], s1  }
0x38: {  	s0 =	simm.s32 @!p0 $0x1  }
0x39: {  	_ =	swait.ge @!p0 [sflag:s0], s1  }
0x3a: {  	s1 =	ssub.s32 @!p0 $0x0, s1;
	[sflag:s0] =	ssyncset.done @!p0 $0x0  }
0x3b: {  	[sflag:s0] =	ssyncadd.s32 @!p0 s1  }
0x3c: {  	[bflag:$0x3] =	sbarrier.arrive $0xFFFF  }
0x3d: {  	_ =	shalt  }

</sc_bundles>
